<compile_context>
chip_gen: v7x
topology: tpu7x:2x2x1
jax: 0.10.2.dev20260603
libtpu: 0.0.44.dev20260713+nightly
codegen_flags: <defaults>
</compile_context>

<pallas_src>
import functools

import jax
import jax.numpy as jnp
from jax import lax
from jax.experimental import pallas as pl
from jax.experimental.pallas import tpu as pltpu
from jax.experimental.pallas import tpu_sc as plsc

N = 10000
D = 128
E = 320000

NC = 2
NS = 16
NW = NC * NS

K = 128
C = 80
H = C // 2
EPW = C * K
E_PAD = NW * EPW
NPAD = 10240
NJUNK = NPAD - N
ZROWS = NPAD // NS
PADW = EPW - E // NW
DEGPAD = 10240
DZROWS = DEGPAD // NS

_MESH = plsc.VectorSubcoreMesh(core_axis_name="c", subcore_axis_name="s")


@functools.partial(
    pl.kernel,
    out_type=jax.ShapeDtypeStruct((NC, DEGPAD), jnp.float32),
    mesh=_MESH,
    scratch_types=[
        pltpu.VMEM((C, K), jnp.int32),
        pltpu.VMEM((K,), jnp.float32),
        pltpu.VMEM_SHARED((DEGPAD,), jnp.float32),
    ],
)
def _deg_kernel(dst_hbm, zeros_hbm, ones_hbm, deg_hbm, dst_v, ones_v, acc):
    c = lax.axis_index("c")
    s = lax.axis_index("s")
    pltpu.sync_copy(zeros_hbm, acc.at[pl.ds(s * DZROWS, DZROWS)])
    pltpu.sync_copy(dst_hbm.at[c, s], dst_v)
    pltpu.sync_copy(ones_hbm, ones_v)
    plsc.subcore_barrier()

    def chunk(j, carry):
        pltpu.sync_copy(ones_v, acc.at[dst_v.at[j]], add=True)
        return carry

    lax.fori_loop(0, C, chunk, 0)
    plsc.subcore_barrier()
    pltpu.sync_copy(acc.at[pl.ds(s * DZROWS, DZROWS)],
                    deg_hbm.at[c, pl.ds(s * DZROWS, DZROWS)])


@functools.partial(
    pl.kernel,
    out_type=jax.ShapeDtypeStruct((NC, NPAD, D), jnp.float32),
    mesh=_MESH,
    scratch_types=[
        pltpu.VMEM((H, K), jnp.int32),
        pltpu.VMEM((H, K), jnp.int32),
        pltpu.VMEM((2, K, D), jnp.float32),
        pltpu.SemaphoreType.DMA,
        pltpu.SemaphoreType.DMA,
        pltpu.SemaphoreType.DMA,
        pltpu.VMEM_SHARED((NPAD, D), jnp.float32),
    ],
)
def _agg_kernel(g_hbm, src_hbm, dst_hbm, zrows_hbm, out_hbm,
                src_v, dst_v, rows_v, g0, g1, zs, acc):
    c = lax.axis_index("c")
    s = lax.axis_index("s")
    pltpu.async_copy(zrows_hbm, acc.at[pl.ds(s * ZROWS, ZROWS)], zs)
    pltpu.sync_copy(src_hbm.at[c, s, pl.ds(0, H)], src_v)
    pltpu.sync_copy(dst_hbm.at[c, s, pl.ds(0, H)], dst_v)
    pltpu.async_copy(g_hbm.at[src_v.at[0]], rows_v.at[0], g0)
    pltpu.make_async_copy(zrows_hbm, acc.at[pl.ds(0, ZROWS)], zs).wait()
    plsc.subcore_barrier()

    for h in range(2):
        if h:
            pltpu.sync_copy(src_hbm.at[c, s, pl.ds(h * H, H)], src_v)
            pltpu.sync_copy(dst_hbm.at[c, s, pl.ds(h * H, H)], dst_v)
            pltpu.async_copy(g_hbm.at[src_v.at[0]], rows_v.at[0], g0)

        def pair(i, carry):
            j = 2 * i
            pltpu.make_async_copy(g_hbm.at[src_v.at[0]], rows_v.at[0], g0).wait()
            pltpu.async_copy(g_hbm.at[src_v.at[j + 1]], rows_v.at[1], g1)
            pltpu.sync_copy(rows_v.at[0], acc.at[dst_v.at[j]], add=True)
            pltpu.make_async_copy(g_hbm.at[src_v.at[1]], rows_v.at[1], g1).wait()

            @pl.when(j + 2 < H)
            def _():
                pltpu.async_copy(g_hbm.at[src_v.at[j + 2]], rows_v.at[0], g0)

            pltpu.sync_copy(rows_v.at[1], acc.at[dst_v.at[j + 1]], add=True)
            return carry

        lax.fori_loop(0, H // 2, pair, 0)
    plsc.subcore_barrier()
    pltpu.sync_copy(acc.at[pl.ds(s * ZROWS, ZROWS)],
                    out_hbm.at[c, pl.ds(s * ZROWS, ZROWS)])


_BM = 2000


def _mm1_body(x_ref, w_ref, d_ref, g_ref, dis_ref):
    deg = d_ref[0] + d_ref[1] + 1.0
    dis = lax.rsqrt(deg)
    h = jnp.dot(x_ref[...], w_ref[...], preferred_element_type=jnp.float32)
    g_ref[...] = h * dis
    dis_ref[...] = dis


def _mm2_body(s_ref, g_ref, dis_ref, b_ref, w_ref, g2_ref):
    dis = dis_ref[...]
    a = (s_ref[0] + s_ref[1] + g_ref[...]) * dis + b_ref[...]
    a = jnp.maximum(a, 0.0)
    h = jnp.dot(a, w_ref[...], preferred_element_type=jnp.float32)
    g2_ref[...] = h * dis


def _out_body(s_ref, g_ref, dis_ref, b_ref, o_ref):
    o_ref[...] = (s_ref[0] + s_ref[1] + g_ref[...]) * dis_ref[...] + b_ref[...]


_GRID = (N // _BM,)
_row_blk = pl.BlockSpec((_BM, D), lambda i: (i, 0))
_s_blk = pl.BlockSpec((NC, _BM, D), lambda i: (0, i, 0))
_d_blk = pl.BlockSpec((NC, _BM, 1), lambda i: (0, i, 0))
_dis_blk = pl.BlockSpec((_BM, 1), lambda i: (i, 0))
_w_blk = pl.BlockSpec((D, D), lambda i: (0, 0))
_b_blk = pl.BlockSpec((1, D), lambda i: (0, 0))

_mm1 = pl.pallas_call(
    _mm1_body,
    grid=_GRID,
    in_specs=[_row_blk, _w_blk, _d_blk],
    out_specs=[_row_blk, _dis_blk],
    out_shape=[
        jax.ShapeDtypeStruct((N, D), jnp.float32),
        jax.ShapeDtypeStruct((N, 1), jnp.float32),
    ],
)

_mm2 = pl.pallas_call(
    _mm2_body,
    grid=_GRID,
    in_specs=[_s_blk, _row_blk, _dis_blk, _b_blk, _w_blk],
    out_specs=_row_blk,
    out_shape=jax.ShapeDtypeStruct((N, D), jnp.float32),
)

_out_tc = pl.pallas_call(
    _out_body,
    grid=_GRID,
    in_specs=[_s_blk, _row_blk, _dis_blk, _b_blk],
    out_specs=_row_blk,
    out_shape=jax.ShapeDtypeStruct((N, D), jnp.float32),
)


def kernel(x, edge_index, W1, b1, W2, b2):
    src = edge_index[0].astype(jnp.int32).reshape(NW, E // NW)
    dst = edge_index[1].astype(jnp.int32).reshape(NW, E // NW)
    psrc = jnp.broadcast_to(jnp.arange(PADW, dtype=jnp.int32), (NW, PADW))
    pdst = jnp.broadcast_to(N + jnp.arange(PADW, dtype=jnp.int32) % NJUNK,
                            (NW, PADW))
    src_p = jnp.concatenate([src, psrc], axis=1).reshape(NC, NS, C, K)
    dst_p = jnp.concatenate([dst, pdst], axis=1).reshape(NC, NS, C, K)

    zeros1 = jnp.zeros((DZROWS,), jnp.float32)
    ones_k = jnp.ones((K,), jnp.float32)
    zrows = jnp.zeros((ZROWS, D), jnp.float32)

    deg2 = _deg_kernel(dst_p, zeros1, ones_k)
    d3 = deg2.reshape(NC, DEGPAD, 1)

    g1, dis = _mm1(x, W1, d3)
    s1 = _agg_kernel(g1, src_p, dst_p, zrows)
    g2 = _mm2(s1, g1, dis, b1.reshape(1, D), W2)
    s2 = _agg_kernel(g2, src_p, dst_p, zrows)
    out = _out_tc(s2, g2, dis, b2.reshape(1, D))
    return out

# --- scband reference (transcript-rebuilt; emitter-appended) ---
"""Pipeline reference for scband-gcngraph-classifier-36928128811252 (READ-ONLY COPY).

The authoritative reference and input builder live on the scoring server;
editing this copy changes nothing except your own understanding.
"""

import jax, jax.numpy as jnp
import numpy as np

N = 10000
E = 320000
D_IN = 128
D_HID = 128
D_OUT = 128


def setup_inputs(seed: int = 0):
    key = jax.random.key(seed)
    k1, k2, k3, k4 = jax.random.split(key, 4)
    x = jax.random.normal(k1, (N, D_IN), dtype=jnp.float32)
    edge_index = jax.random.randint(k2, (2, E), 0, N)
    W1 = jax.random.normal(k3, (D_IN, D_HID), dtype=jnp.float32) * (1.0 / np.sqrt(D_IN))
    b1 = jnp.zeros((D_HID,), dtype=jnp.float32)
    W2 = jax.random.normal(k4, (D_HID, D_OUT), dtype=jnp.float32) * (1.0 / np.sqrt(D_HID))
    b2 = jnp.zeros((D_OUT,), dtype=jnp.float32)
    return {"x": x, "edge_index": edge_index, "W1": W1, "b1": b1, "W2": W2, "b2": b2}


def gcn_conv(x, edge_index, W, b):
    # Faithful PyG GCNConv: add self-loops, symmetric deg^-1/2 normalization,
    # linear transform, scatter-add aggregation to dst, plus bias.
    num_nodes = x.shape[0]
    loop = jnp.arange(num_nodes, dtype=edge_index.dtype)
    src = jnp.concatenate([edge_index[0], loop])
    dst = jnp.concatenate([edge_index[1], loop])
    h = x @ W
    deg = jnp.zeros((num_nodes,), dtype=h.dtype).at[dst].add(1.0)
    deg_inv_sqrt = jnp.where(deg > 0, jax.lax.rsqrt(jnp.maximum(deg, 1e-12)), 0.0)
    norm = deg_inv_sqrt[src] * deg_inv_sqrt[dst]
    msg = h[src] * norm[:, None]
    out = jnp.zeros((num_nodes, h.shape[1]), dtype=h.dtype).at[dst].add(msg)
    return out + b


def reference(x, edge_index, W1, b1, W2, b2):
    h = jax.nn.relu(gcn_conv(x, edge_index, W1, b1))
    out = gcn_conv(h, edge_index, W2, b2)
    return out

if __name__ == "__main__":
    import jax
    _d = setup_inputs()
    print(jax.jit(kernel)(*tuple(_d.values())))

</pallas_src>

<mosaic_0001>
#map = affine_map<(d0, d1) -> (0, 0)>
#map1 = affine_map<(d0, d1) -> (0, 0, 0, 0)>
#map2 = affine_map<(d0, d1) -> (0, 0, 0)>
module attributes {stable_mosaic.version = 14 : i64} {
  func.func @_agg_kernel(%arg0: i32, %arg1: i32, %arg2: memref<10000x128xf32, #tpu.memory_space<hbm>>, %arg3: memref<2x16x80x128xi32, #tpu.memory_space<hbm>>, %arg4: memref<2x16x80x128xi32, #tpu.memory_space<hbm>>, %arg5: memref<640x128xf32, #tpu.memory_space<hbm>>, %arg6: memref<2x10240x128xf32, #tpu.memory_space<hbm>>, %arg7: memref<40x128xi32, #tpu.memory_space<vmem>>, %arg8: memref<40x128xi32, #tpu.memory_space<vmem>>, %arg9: memref<2x128x128xf32, #tpu.memory_space<vmem>>, %arg10: memref<!tpu.dma_semaphore, #tpu.memory_space<semaphore_mem>>, %arg11: memref<!tpu.dma_semaphore, #tpu.memory_space<semaphore_mem>>, %arg12: memref<!tpu.dma_semaphore, #tpu.memory_space<semaphore_mem>>, %arg13: memref<10240x128xf32, #tpu.memory_space<vmem_shared>>) attributes {dimension_semantics = [#tpu.dimension_semantics<core_parallel>, #tpu.dimension_semantics<subcore_parallel>], iteration_bounds = array<i64: 2, 16>, scalar_prefetch = 0 : i64, scratch_operands = 7 : i64, tpu.core_type = #tpu.core_type<sc_vector_subcore>, window_params = [{transform_indices = #map}, {transform_indices = #map1}, {transform_indices = #map1}, {transform_indices = #map}, {transform_indices = #map2}]} {
    %mul3A = arith.constant 640 : i32
    %mul3A_0 = arith.muli %arg1, %mul3A : i32
    %dma_start3A = arith.constant 0 : i32
    %dma_start3A_1 = tpu.memref_slice %arg13[%mul3A_0, %dma_start3A] : memref<10240x128xf32, #tpu.memory_space<vmem_shared>> -> memref<640x128xf32, #tpu.memory_space<vmem_shared>>
    tpu.enqueue_dma source(%arg5 : memref<640x128xf32, #tpu.memory_space<hbm>>) target(%dma_start3A_1 : memref<640x128xf32, #tpu.memory_space<vmem_shared>>) target_semaphore(%arg12 : memref<!tpu.dma_semaphore, #tpu.memory_space<semaphore_mem>>)
    "tpu.region"() ({
      %run_scoped3A = tpu.sem_alloc : memref<!tpu.dma_semaphore, #tpu.memory_space<semaphore_mem>>
      %dma_start3A_44 = arith.constant 0 : i32
      %dma_start3A_45 = arith.constant 0 : i32
      %dma_start3A_46 = tpu.memref_slice %arg3[%arg0, %arg1, %dma_start3A_44, %dma_start3A_45] : memref<2x16x80x128xi32, #tpu.memory_space<hbm>> -> memref<1x1x40x128xi32, #tpu.memory_space<hbm>>
      %dma_start3A_47 = tpu.memref_squeeze %dma_start3A_46 : memref<1x1x40x128xi32, #tpu.memory_space<hbm>> -> memref<40x128xi32, #tpu.memory_space<hbm>>
      %dma_start3A_48 = arith.constant 0 : i32
      %dma_start3A_49 = arith.constant 0 : i32
      %dma_start3A_50 = tpu.memref_slice %arg3[%arg0, %arg1, %dma_start3A_48, %dma_start3A_49] : memref<2x16x80x128xi32, #tpu.memory_space<hbm>> -> memref<1x1x40x128xi32, #tpu.memory_space<hbm>>
      %dma_start3A_51 = tpu.memref_squeeze %dma_start3A_50 : memref<1x1x40x128xi32, #tpu.memory_space<hbm>> -> memref<40x128xi32, #tpu.memory_space<hbm>>
      tpu.enqueue_dma source(%dma_start3A_51 : memref<40x128xi32, #tpu.memory_space<hbm>>) target(%arg7 : memref<40x128xi32, #tpu.memory_space<vmem>>) target_semaphore(%run_scoped3A : memref<!tpu.dma_semaphore, #tpu.memory_space<semaphore_mem>>)
      %dma_wait3A_52 = arith.constant 0 : i32
      %dma_wait3A_53 = arith.constant 0 : i32
      %dma_wait3A_54 = tpu.memref_slice %arg3[%arg0, %arg1, %dma_wait3A_52, %dma_wait3A_53] : memref<2x16x80x128xi32, #tpu.memory_space<hbm>> -> memref<1x1x40x128xi32, #tpu.memory_space<hbm>>
      %dma_wait3A_55 = tpu.memref_squeeze %dma_wait3A_54 : memref<1x1x40x128xi32, #tpu.memory_space<hbm>> -> memref<40x128xi32, #tpu.memory_space<hbm>>
      %dma_wait3A_56 = arith.constant 0 : i32
      %dma_wait3A_57 = arith.constant 0 : i32
      %dma_wait3A_58 = tpu.memref_slice %arg3[%arg0, %arg1, %dma_wait3A_56, %dma_wait3A_57] : memref<2x16x80x128xi32, #tpu.memory_space<hbm>> -> memref<1x1x40x128xi32, #tpu.memory_space<hbm>>
      %dma_wait3A_59 = tpu.memref_squeeze %dma_wait3A_58 : memref<1x1x40x128xi32, #tpu.memory_space<hbm>> -> memref<40x128xi32, #tpu.memory_space<hbm>>
      tpu.wait_dma2 semaphore(%run_scoped3A : memref<!tpu.dma_semaphore, #tpu.memory_space<semaphore_mem>>) src(%dma_wait3A_59 : memref<40x128xi32, #tpu.memory_space<hbm>>) dst(%arg7 : memref<40x128xi32, #tpu.memory_space<vmem>>)
      tpu.yield
    }) : () -> ()
    "tpu.region"() ({
      %run_scoped3A = tpu.sem_alloc : memref<!tpu.dma_semaphore, #tpu.memory_space<semaphore_mem>>
      %dma_start3A_44 = arith.constant 0 : i32
      %dma_start3A_45 = arith.constant 0 : i32
      %dma_start3A_46 = tpu.memref_slice %arg4[%arg0, %arg1, %dma_start3A_44, %dma_start3A_45] : memref<2x16x80x128xi32, #tpu.memory_space<hbm>> -> memref<1x1x40x128xi32, #tpu.memory_space<hbm>>
      %dma_start3A_47 = tpu.memref_squeeze %dma_start3A_46 : memref<1x1x40x128xi32, #tpu.memory_space<hbm>> -> memref<40x128xi32, #tpu.memory_space<hbm>>
      %dma_start3A_48 = arith.constant 0 : i32
      %dma_start3A_49 = arith.constant 0 : i32
      %dma_start3A_50 = tpu.memref_slice %arg4[%arg0, %arg1, %dma_start3A_48, %dma_start3A_49] : memref<2x16x80x128xi32, #tpu.memory_space<hbm>> -> memref<1x1x40x128xi32, #tpu.memory_space<hbm>>
      %dma_start3A_51 = tpu.memref_squeeze %dma_start3A_50 : memref<1x1x40x128xi32, #tpu.memory_space<hbm>> -> memref<40x128xi32, #tpu.memory_space<hbm>>
      tpu.enqueue_dma source(%dma_start3A_51 : memref<40x128xi32, #tpu.memory_space<hbm>>) target(%arg8 : memref<40x128xi32, #tpu.memory_space<vmem>>) target_semaphore(%run_scoped3A : memref<!tpu.dma_semaphore, #tpu.memory_space<semaphore_mem>>)
      %dma_wait3A_52 = arith.constant 0 : i32
      %dma_wait3A_53 = arith.constant 0 : i32
      %dma_wait3A_54 = tpu.memref_slice %arg4[%arg0, %arg1, %dma_wait3A_52, %dma_wait3A_53] : memref<2x16x80x128xi32, #tpu.memory_space<hbm>> -> memref<1x1x40x128xi32, #tpu.memory_space<hbm>>
      %dma_wait3A_55 = tpu.memref_squeeze %dma_wait3A_54 : memref<1x1x40x128xi32, #tpu.memory_space<hbm>> -> memref<40x128xi32, #tpu.memory_space<hbm>>
      %dma_wait3A_56 = arith.constant 0 : i32
      %dma_wait3A_57 = arith.constant 0 : i32
      %dma_wait3A_58 = tpu.memref_slice %arg4[%arg0, %arg1, %dma_wait3A_56, %dma_wait3A_57] : memref<2x16x80x128xi32, #tpu.memory_space<hbm>> -> memref<1x1x40x128xi32, #tpu.memory_space<hbm>>
      %dma_wait3A_59 = tpu.memref_squeeze %dma_wait3A_58 : memref<1x1x40x128xi32, #tpu.memory_space<hbm>> -> memref<40x128xi32, #tpu.memory_space<hbm>>
      tpu.wait_dma2 semaphore(%run_scoped3A : memref<!tpu.dma_semaphore, #tpu.memory_space<semaphore_mem>>) src(%dma_wait3A_59 : memref<40x128xi32, #tpu.memory_space<hbm>>) dst(%arg8 : memref<40x128xi32, #tpu.memory_space<vmem>>)
      tpu.yield
    }) : () -> ()
    %dma_start3A_2 = arith.constant 0 : i32
    %dma_start3A_3 = arith.constant 0 : i32
    %dma_start3A_4 = arith.constant 0 : i32
    %dma_start3A_5 = arith.constant 0 : i32
    %dma_start3A_6 = tpu.memref_slice %arg9[%dma_start3A_3, %dma_start3A_4, %dma_start3A_5] : memref<2x128x128xf32, #tpu.memory_space<vmem>> -> memref<1x128x128xf32, #tpu.memory_space<vmem>>
    %dma_start3A_7 = tpu.memref_squeeze %dma_start3A_6 : memref<1x128x128xf32, #tpu.memory_space<vmem>> -> memref<128x128xf32, #tpu.memory_space<vmem>>
    %dma_start3A_8 = arith.constant 0 : i32
    %dma_start3A_9 = tpu.memref_slice %arg7[%dma_start3A_2, %dma_start3A_8] : memref<40x128xi32, #tpu.memory_space<vmem>> -> memref<1x128xi32, #tpu.memory_space<vmem>>
    %dma_start3A_10 = tpu.memref_squeeze %dma_start3A_9 : memref<1x128xi32, #tpu.memory_space<vmem>> -> memref<128xi32, #tpu.memory_space<vmem>>
    %dma_start3A_11 = arith.constant 0 : i32
    %dma_start3A_12 = arith.constant 0 : i32
    %dma_start3A_13 = tpu.memref_slice %arg2[%dma_start3A_11, %dma_start3A_12] : memref<10000x128xf32, #tpu.memory_space<hbm>> -> memref<10000x128xf32, #tpu.memory_space<hbm>>
    tpu.enqueue_indirect_dma source(%dma_start3A_13 : memref<10000x128xf32, #tpu.memory_space<hbm>>) target(%dma_start3A_7 : memref<128x128xf32, #tpu.memory_space<vmem>>) offsets(%dma_start3A_10 : memref<128xi32, #tpu.memory_space<vmem>>) semaphore(%arg10 : memref<!tpu.dma_semaphore, #tpu.memory_space<semaphore_mem>>)
    %dma_wait3A = arith.constant 0 : i32
    %dma_wait3A_14 = arith.constant 0 : i32
    %dma_wait3A_15 = tpu.memref_slice %arg13[%dma_wait3A, %dma_wait3A_14] : memref<10240x128xf32, #tpu.memory_space<vmem_shared>> -> memref<640x128xf32, #tpu.memory_space<vmem_shared>>
    tpu.wait_dma2 semaphore(%arg12 : memref<!tpu.dma_semaphore, #tpu.memory_space<semaphore_mem>>) src(%arg5 : memref<640x128xf32, #tpu.memory_space<hbm>>) dst(%dma_wait3A_15 : memref<640x128xf32, #tpu.memory_space<vmem_shared>>)
    %barrier3A = arith.constant 0 : index
    tpu.barrier barrier_id(%barrier3A)
    %scan3A = arith.constant 0 : i32
    %scan3A_16 = arith.constant 0 : i32
    %scan3A_17 = arith.constant 20 : i32
    %scan3A_18 = arith.addi %scan3A_16, %scan3A_17 : i32
    %scan3A_19 = arith.constant 1 : i32
    scf.for %scan3A_44 = %scan3A_16 to %scan3A_18 step %scan3A_19  : i32 {
      %mul3A_45 = arith.constant 2 : i32
      %mul3A_46 = arith.muli %mul3A_45, %scan3A_44 : i32
      %dma_wait3A_47 = arith.constant 0 : i32
      %dma_wait3A_48 = arith.constant 0 : i32
      %dma_wait3A_49 = arith.constant 0 : i32
      %dma_wait3A_50 = arith.constant 0 : i32
      %dma_wait3A_51 = tpu.memref_slice %arg9[%dma_wait3A_48, %dma_wait3A_49, %dma_wait3A_50] : memref<2x128x128xf32, #tpu.memory_space<vmem>> -> memref<1x128x128xf32, #tpu.memory_space<vmem>>
      %dma_wait3A_52 = tpu.memref_squeeze %dma_wait3A_51 : memref<1x128x128xf32, #tpu.memory_space<vmem>> -> memref<128x128xf32, #tpu.memory_space<vmem>>
      %dma_wait3A_53 = arith.constant 0 : i32
      %dma_wait3A_54 = tpu.memref_slice %arg7[%dma_wait3A_47, %dma_wait3A_53] : memref<40x128xi32, #tpu.memory_space<vmem>> -> memref<1x128xi32, #tpu.memory_space<vmem>>
      %dma_wait3A_55 = tpu.memref_squeeze %dma_wait3A_54 : memref<1x128xi32, #tpu.memory_space<vmem>> -> memref<128xi32, #tpu.memory_space<vmem>>
      %dma_wait3A_56 = arith.constant 0 : i32
      %dma_wait3A_57 = arith.constant 0 : i32
      %dma_wait3A_58 = tpu.memref_slice %arg2[%dma_wait3A_56, %dma_wait3A_57] : memref<10000x128xf32, #tpu.memory_space<hbm>> -> memref<10000x128xf32, #tpu.memory_space<hbm>>
      tpu.wait_indirect_dma semaphore(%arg10 : memref<!tpu.dma_semaphore, #tpu.memory_space<semaphore_mem>>) src(%dma_wait3A_58 : memref<10000x128xf32, #tpu.memory_space<hbm>>) dst(%dma_wait3A_52 : memref<128x128xf32, #tpu.memory_space<vmem>>)
      %add3A = arith.constant 1 : i32
      %add3A_59 = arith.addi %mul3A_46, %add3A : i32
      %dma_start3A_60 = arith.constant 1 : i32
      %dma_start3A_61 = arith.constant 0 : i32
      %dma_start3A_62 = arith.constant 0 : i32
      %dma_start3A_63 = tpu.memref_slice %arg9[%dma_start3A_60, %dma_start3A_61, %dma_start3A_62] : memref<2x128x128xf32, #tpu.memory_space<vmem>> -> memref<1x128x128xf32, #tpu.memory_space<vmem>>
      %dma_start3A_64 = tpu.memref_squeeze %dma_start3A_63 : memref<1x128x128xf32, #tpu.memory_space<vmem>> -> memref<128x128xf32, #tpu.memory_space<vmem>>
      %dma_start3A_65 = arith.constant 0 : i32
      %dma_start3A_66 = tpu.memref_slice %arg7[%add3A_59, %dma_start3A_65] : memref<40x128xi32, #tpu.memory_space<vmem>> -> memref<1x128xi32, #tpu.memory_space<vmem>>
      %dma_start3A_67 = tpu.memref_squeeze %dma_start3A_66 : memref<1x128xi32, #tpu.memory_space<vmem>> -> memref<128xi32, #tpu.memory_space<vmem>>
      %dma_start3A_68 = arith.constant 0 : i32
      %dma_start3A_69 = arith.constant 0 : i32
      %dma_start3A_70 = tpu.memref_slice %arg2[%dma_start3A_68, %dma_start3A_69] : memref<10000x128xf32, #tpu.memory_space<hbm>> -> memref<10000x128xf32, #tpu.memory_space<hbm>>
      tpu.enqueue_indirect_dma source(%dma_start3A_70 : memref<10000x128xf32, #tpu.memory_space<hbm>>) target(%dma_start3A_64 : memref<128x128xf32, #tpu.memory_space<vmem>>) offsets(%dma_start3A_67 : memref<128xi32, #tpu.memory_space<vmem>>) semaphore(%arg11 : memref<!tpu.dma_semaphore, #tpu.memory_space<semaphore_mem>>)
      %run_scoped3A = arith.constant 0 : i32
      "tpu.region"() ({
        %run_scoped3A_90 = tpu.sem_alloc : memref<!tpu.dma_semaphore, #tpu.memory_space<semaphore_mem>>
        %dma_start3A_91 = arith.constant 0 : i32
        %dma_start3A_92 = arith.constant 0 : i32
        %dma_start3A_93 = tpu.memref_slice %arg9[%run_scoped3A, %dma_start3A_91, %dma_start3A_92] : memref<2x128x128xf32, #tpu.memory_space<vmem>> -> memref<1x128x128xf32, #tpu.memory_space<vmem>>
        %dma_start3A_94 = tpu.memref_squeeze %dma_start3A_93 : memref<1x128x128xf32, #tpu.memory_space<vmem>> -> memref<128x128xf32, #tpu.memory_space<vmem>>
        %dma_start3A_95 = arith.constant 0 : i32
        %dma_start3A_96 = tpu.memref_slice %arg8[%mul3A_46, %dma_start3A_95] : memref<40x128xi32, #tpu.memory_space<vmem>> -> memref<1x128xi32, #tpu.memory_space<vmem>>
        %dma_start3A_97 = tpu.memref_squeeze %dma_start3A_96 : memref<1x128xi32, #tpu.memory_space<vmem>> -> memref<128xi32, #tpu.memory_space<vmem>>
        %dma_start3A_98 = arith.constant 0 : i32
        %dma_start3A_99 = arith.constant 0 : i32
        %dma_start3A_100 = tpu.memref_slice %arg13[%dma_start3A_98, %dma_start3A_99] : memref<10240x128xf32, #tpu.memory_space<vmem_shared>> -> memref<10240x128xf32, #tpu.memory_space<vmem_shared>>
        tpu.enqueue_indirect_dma source(%dma_start3A_94 : memref<128x128xf32, #tpu.memory_space<vmem>>) target(%dma_start3A_100 : memref<10240x128xf32, #tpu.memory_space<vmem_shared>>) offsets(%dma_start3A_97 : memref<128xi32, #tpu.memory_space<vmem>>) semaphore(%run_scoped3A_90 : memref<!tpu.dma_semaphore, #tpu.memory_space<semaphore_mem>>) {add = true}
        %dma_wait3A_101 = arith.constant 0 : i32
        %dma_wait3A_102 = arith.constant 0 : i32
        %dma_wait3A_103 = tpu.memref_slice %arg9[%run_scoped3A, %dma_wait3A_101, %dma_wait3A_102] : memref<2x128x128xf32, #tpu.memory_space<vmem>> -> memref<1x128x128xf32, #tpu.memory_space<vmem>>
        %dma_wait3A_104 = tpu.memref_squeeze %dma_wait3A_103 : memref<1x128x128xf32, #tpu.memory_space<vmem>> -> memref<128x128xf32, #tpu.memory_space<vmem>>
        %dma_wait3A_105 = arith.constant 0 : i32
        %dma_wait3A_106 = tpu.memref_slice %arg8[%mul3A_46, %dma_wait3A_105] : memref<40x128xi32, #tpu.memory_space<vmem>> -> memref<1x128xi32, #tpu.memory_space<vmem>>
        %dma_wait3A_107 = tpu.memref_squeeze %dma_wait3A_106 : memref<1x128xi32, #tpu.memory_space<vmem>> -> memref<128xi32, #tpu.memory_space<vmem>>
        %dma_wait3A_108 = arith.constant 0 : i32
        %dma_wait3A_109 = arith.constant 0 : i32
        %dma_wait3A_110 = tpu.memref_slice %arg13[%dma_wait3A_108, %dma_wait3A_109] : memref<10240x128xf32, #tpu.memory_space<vmem_shared>> -> memref<10240x128xf32, #tpu.memory_space<vmem_shared>>
        tpu.wait_indirect_dma semaphore(%run_scoped3A_90 : memref<!tpu.dma_semaphore, #tpu.memory_space<semaphore_mem>>) src(%dma_wait3A_104 : memref<128x128xf32, #tpu.memory_space<vmem>>) dst(%dma_wait3A_110 : memref<10240x128xf32, #tpu.memory_space<vmem_shared>>)
        tpu.yield
      }) : () -> ()
      %dma_wait3A_71 = arith.constant 1 : i32
      %dma_wait3A_72 = arith.constant 1 : i32
      %dma_wait3A_73 = arith.constant 0 : i32
      %dma_wait3A_74 = arith.constant 0 : i32
      %dma_wait3A_75 = tpu.memref_slice %arg9[%dma_wait3A_72, %dma_wait3A_73, %dma_wait3A_74] : memref<2x128x128xf32, #tpu.memory_space<vmem>> -> memref<1x128x128xf32, #tpu.memory_space<vmem>>
      %dma_wait3A_76 = tpu.memref_squeeze %dma_wait3A_75 : memref<1x128x128xf32, #tpu.memory_space<vmem>> -> memref<128x128xf32, #tpu.memory_space<vmem>>
      %dma_wait3A_77 = arith.constant 0 : i32
      %dma_wait3A_78 = tpu.memref_slice %arg7[%dma_wait3A_71, %dma_wait3A_77] : memref<40x128xi32, #tpu.memory_space<vmem>> -> memref<1x128xi32, #tpu.memory_space<vmem>>
      %dma_wait3A_79 = tpu.memref_squeeze %dma_wait3A_78 : memref<1x128xi32, #tpu.memory_space<vmem>> -> memref<128xi32, #tpu.memory_space<vmem>>
      %dma_wait3A_80 = arith.constant 0 : i32
      %dma_wait3A_81 = arith.constant 0 : i32
      %dma_wait3A_82 = tpu.memref_slice %arg2[%dma_wait3A_80, %dma_wait3A_81] : memref<10000x128xf32, #tpu.memory_space<hbm>> -> memref<10000x128xf32, #tpu.memory_space<hbm>>
      tpu.wait_indirect_dma semaphore(%arg11 : memref<!tpu.dma_semaphore, #tpu.memory_space<semaphore_mem>>) src(%dma_wait3A_82 : memref<10000x128xf32, #tpu.memory_space<hbm>>) dst(%dma_wait3A_76 : memref<128x128xf32, #tpu.memory_space<vmem>>)
      %add3A_83 = arith.constant 2 : i32
      %add3A_84 = arith.addi %mul3A_46, %add3A_83 : i32
      %lt3A = arith.constant 40 : i32
      %lt3A_85 = arith.cmpi slt, %add3A_84, %lt3A : i32
      %convert_element_type3A = arith.extui %lt3A_85 : i1 to i32
      %cond3A = arith.constant 0 : i32
      %cond3A_86 = arith.cmpi ne, %convert_element_type3A, %cond3A : i32
      scf.if %cond3A_86 {
        %add3A_90 = arith.constant 2 : i32
        %add3A_91 = arith.addi %mul3A_46, %add3A_90 : i32
        %dma_start3A_92 = arith.constant 0 : i32
        %dma_start3A_93 = arith.constant 0 : i32
        %dma_start3A_94 = arith.constant 0 : i32
        %dma_start3A_95 = tpu.memref_slice %arg9[%dma_start3A_92, %dma_start3A_93, %dma_start3A_94] : memref<2x128x128xf32, #tpu.memory_space<vmem>> -> memref<1x128x128xf32, #tpu.memory_space<vmem>>
        %dma_start3A_96 = tpu.memref_squeeze %dma_start3A_95 : memref<1x128x128xf32, #tpu.memory_space<vmem>> -> memref<128x128xf32, #tpu.memory_space<vmem>>
        %dma_start3A_97 = arith.constant 0 : i32
        %dma_start3A_98 = tpu.memref_slice %arg7[%add3A_91, %dma_start3A_97] : memref<40x128xi32, #tpu.memory_space<vmem>> -> memref<1x128xi32, #tpu.memory_space<vmem>>
        %dma_start3A_99 = tpu.memref_squeeze %dma_start3A_98 : memref<1x128xi32, #tpu.memory_space<vmem>> -> memref<128xi32, #tpu.memory_space<vmem>>
        %dma_start3A_100 = arith.constant 0 : i32
        %dma_start3A_101 = arith.constant 0 : i32
        %dma_start3A_102 = tpu.memref_slice %arg2[%dma_start3A_100, %dma_start3A_101] : memref<10000x128xf32, #tpu.memory_space<hbm>> -> memref<10000x128xf32, #tpu.memory_space<hbm>>
        tpu.enqueue_indirect_dma source(%dma_start3A_102 : memref<10000x128xf32, #tpu.memory_space<hbm>>) target(%dma_start3A_96 : memref<128x128xf32, #tpu.memory_space<vmem>>) offsets(%dma_start3A_99 : memref<128xi32, #tpu.memory_space<vmem>>) semaphore(%arg10 : memref<!tpu.dma_semaphore, #tpu.memory_space<semaphore_mem>>)
      } else {
      }
      %add3A_87 = arith.constant 1 : i32
      %add3A_88 = arith.addi %mul3A_46, %add3A_87 : i32
      %run_scoped3A_89 = arith.constant 1 : i32
      "tpu.region"() ({
        %run_scoped3A_90 = tpu.sem_alloc : memref<!tpu.dma_semaphore, #tpu.memory_space<semaphore_mem>>
        %dma_start3A_91 = arith.constant 0 : i32
        %dma_start3A_92 = arith.constant 0 : i32
        %dma_start3A_93 = tpu.memref_slice %arg9[%run_scoped3A_89, %dma_start3A_91, %dma_start3A_92] : memref<2x128x128xf32, #tpu.memory_space<vmem>> -> memref<1x128x128xf32, #tpu.memory_space<vmem>>
        %dma_start3A_94 = tpu.memref_squeeze %dma_start3A_93 : memref<1x128x128xf32, #tpu.memory_space<vmem>> -> memref<128x128xf32, #tpu.memory_space<vmem>>
        %dma_start3A_95 = arith.constant 0 : i32
        %dma_start3A_96 = tpu.memref_slice %arg8[%add3A_88, %dma_start3A_95] : memref<40x128xi32, #tpu.memory_space<vmem>> -> memref<1x128xi32, #tpu.memory_space<vmem>>
        %dma_start3A_97 = tpu.memref_squeeze %dma_start3A_96 : memref<1x128xi32, #tpu.memory_space<vmem>> -> memref<128xi32, #tpu.memory_space<vmem>>
        %dma_start3A_98 = arith.constant 0 : i32
        %dma_start3A_99 = arith.constant 0 : i32
        %dma_start3A_100 = tpu.memref_slice %arg13[%dma_start3A_98, %dma_start3A_99] : memref<10240x128xf32, #tpu.memory_space<vmem_shared>> -> memref<10240x128xf32, #tpu.memory_space<vmem_shared>>
        tpu.enqueue_indirect_dma source(%dma_start3A_94 : memref<128x128xf32, #tpu.memory_space<vmem>>) target(%dma_start3A_100 : memref<10240x128xf32, #tpu.memory_space<vmem_shared>>) offsets(%dma_start3A_97 : memref<128xi32, #tpu.memory_space<vmem>>) semaphore(%run_scoped3A_90 : memref<!tpu.dma_semaphore, #tpu.memory_space<semaphore_mem>>) {add = true}
        %dma_wait3A_101 = arith.constant 0 : i32
        %dma_wait3A_102 = arith.constant 0 : i32
        %dma_wait3A_103 = tpu.memref_slice %arg9[%run_scoped3A_89, %dma_wait3A_101, %dma_wait3A_102] : memref<2x128x128xf32, #tpu.memory_space<vmem>> -> memref<1x128x128xf32, #tpu.memory_space<vmem>>
        %dma_wait3A_104 = tpu.memref_squeeze %dma_wait3A_103 : memref<1x128x128xf32, #tpu.memory_space<vmem>> -> memref<128x128xf32, #tpu.memory_space<vmem>>
        %dma_wait3A_105 = arith.constant 0 : i32
        %dma_wait3A_106 = tpu.memref_slice %arg8[%add3A_88, %dma_wait3A_105] : memref<40x128xi32, #tpu.memory_space<vmem>> -> memref<1x128xi32, #tpu.memory_space<vmem>>
        %dma_wait3A_107 = tpu.memref_squeeze %dma_wait3A_106 : memref<1x128xi32, #tpu.memory_space<vmem>> -> memref<128xi32, #tpu.memory_space<vmem>>
        %dma_wait3A_108 = arith.constant 0 : i32
        %dma_wait3A_109 = arith.constant 0 : i32
        %dma_wait3A_110 = tpu.memref_slice %arg13[%dma_wait3A_108, %dma_wait3A_109] : memref<10240x128xf32, #tpu.memory_space<vmem_shared>> -> memref<10240x128xf32, #tpu.memory_space<vmem_shared>>
        tpu.wait_indirect_dma semaphore(%run_scoped3A_90 : memref<!tpu.dma_semaphore, #tpu.memory_space<semaphore_mem>>) src(%dma_wait3A_104 : memref<128x128xf32, #tpu.memory_space<vmem>>) dst(%dma_wait3A_110 : memref<10240x128xf32, #tpu.memory_space<vmem_shared>>)
        tpu.yield
      }) : () -> ()
    }
    %scan3A_20 = arith.constant 20 : i32
    "tpu.region"() ({
      %run_scoped3A = tpu.sem_alloc : memref<!tpu.dma_semaphore, #tpu.memory_space<semaphore_mem>>
      %dma_start3A_44 = arith.constant 40 : i32
      %dma_start3A_45 = arith.constant 0 : i32
      %dma_start3A_46 = tpu.memref_slice %arg3[%arg0, %arg1, %dma_start3A_44, %dma_start3A_45] : memref<2x16x80x128xi32, #tpu.memory_space<hbm>> -> memref<1x1x40x128xi32, #tpu.memory_space<hbm>>
      %dma_start3A_47 = tpu.memref_squeeze %dma_start3A_46 : memref<1x1x40x128xi32, #tpu.memory_space<hbm>> -> memref<40x128xi32, #tpu.memory_space<hbm>>
      %dma_start3A_48 = arith.constant 40 : i32
      %dma_start3A_49 = arith.constant 0 : i32
      %dma_start3A_50 = tpu.memref_slice %arg3[%arg0, %arg1, %dma_start3A_48, %dma_start3A_49] : memref<2x16x80x128xi32, #tpu.memory_space<hbm>> -> memref<1x1x40x128xi32, #tpu.memory_space<hbm>>
      %dma_start3A_51 = tpu.memref_squeeze %dma_start3A_50 : memref<1x1x40x128xi32, #tpu.memory_space<hbm>> -> memref<40x128xi32, #tpu.memory_space<hbm>>
      tpu.enqueue_dma source(%dma_start3A_51 : memref<40x128xi32, #tpu.memory_space<hbm>>) target(%arg7 : memref<40x128xi32, #tpu.memory_space<vmem>>) target_semaphore(%run_scoped3A : memref<!tpu.dma_semaphore, #tpu.memory_space<semaphore_mem>>)
      %dma_wait3A_52 = arith.constant 40 : i32
      %dma_wait3A_53 = arith.constant 0 : i32
      %dma_wait3A_54 = tpu.memref_slice %arg3[%arg0, %arg1, %dma_wait3A_52, %dma_wait3A_53] : memref<2x16x80x128xi32, #tpu.memory_space<hbm>> -> memref<1x1x40x128xi32, #tpu.memory_space<hbm>>
      %dma_wait3A_55 = tpu.memref_squeeze %dma_wait3A_54 : memref<1x1x40x128xi32, #tpu.memory_space<hbm>> -> memref<40x128xi32, #tpu.memory_space<hbm>>
      %dma_wait3A_56 = arith.constant 40 : i32
      %dma_wait3A_57 = arith.constant 0 : i32
      %dma_wait3A_58 = tpu.memref_slice %arg3[%arg0, %arg1, %dma_wait3A_56, %dma_wait3A_57] : memref<2x16x80x128xi32, #tpu.memory_space<hbm>> -> memref<1x1x40x128xi32, #tpu.memory_space<hbm>>
      %dma_wait3A_59 = tpu.memref_squeeze %dma_wait3A_58 : memref<1x1x40x128xi32, #tpu.memory_space<hbm>> -> memref<40x128xi32, #tpu.memory_space<hbm>>
      tpu.wait_dma2 semaphore(%run_scoped3A : memref<!tpu.dma_semaphore, #tpu.memory_space<semaphore_mem>>) src(%dma_wait3A_59 : memref<40x128xi32, #tpu.memory_space<hbm>>) dst(%arg7 : memref<40x128xi32, #tpu.memory_space<vmem>>)
      tpu.yield
    }) : () -> ()
    "tpu.region"() ({
      %run_scoped3A = tpu.sem_alloc : memref<!tpu.dma_semaphore, #tpu.memory_space<semaphore_mem>>
      %dma_start3A_44 = arith.constant 40 : i32
      %dma_start3A_45 = arith.constant 0 : i32
      %dma_start3A_46 = tpu.memref_slice %arg4[%arg0, %arg1, %dma_start3A_44, %dma_start3A_45] : memref<2x16x80x128xi32, #tpu.memory_space<hbm>> -> memref<1x1x40x128xi32, #tpu.memory_space<hbm>>
      %dma_start3A_47 = tpu.memref_squeeze %dma_start3A_46 : memref<1x1x40x128xi32, #tpu.memory_space<hbm>> -> memref<40x128xi32, #tpu.memory_space<hbm>>
      %dma_start3A_48 = arith.constant 40 : i32
      %dma_start3A_49 = arith.constant 0 : i32
      %dma_start3A_50 = tpu.memref_slice %arg4[%arg0, %arg1, %dma_start3A_48, %dma_start3A_49] : memref<2x16x80x128xi32, #tpu.memory_space<hbm>> -> memref<1x1x40x128xi32, #tpu.memory_space<hbm>>
      %dma_start3A_51 = tpu.memref_squeeze %dma_start3A_50 : memref<1x1x40x128xi32, #tpu.memory_space<hbm>> -> memref<40x128xi32, #tpu.memory_space<hbm>>
      tpu.enqueue_dma source(%dma_start3A_51 : memref<40x128xi32, #tpu.memory_space<hbm>>) target(%arg8 : memref<40x128xi32, #tpu.memory_space<vmem>>) target_semaphore(%run_scoped3A : memref<!tpu.dma_semaphore, #tpu.memory_space<semaphore_mem>>)
      %dma_wait3A_52 = arith.constant 40 : i32
      %dma_wait3A_53 = arith.constant 0 : i32
      %dma_wait3A_54 = tpu.memref_slice %arg4[%arg0, %arg1, %dma_wait3A_52, %dma_wait3A_53] : memref<2x16x80x128xi32, #tpu.memory_space<hbm>> -> memref<1x1x40x128xi32, #tpu.memory_space<hbm>>
      %dma_wait3A_55 = tpu.memref_squeeze %dma_wait3A_54 : memref<1x1x40x128xi32, #tpu.memory_space<hbm>> -> memref<40x128xi32, #tpu.memory_space<hbm>>
      %dma_wait3A_56 = arith.constant 40 : i32
      %dma_wait3A_57 = arith.constant 0 : i32
      %dma_wait3A_58 = tpu.memref_slice %arg4[%arg0, %arg1, %dma_wait3A_56, %dma_wait3A_57] : memref<2x16x80x128xi32, #tpu.memory_space<hbm>> -> memref<1x1x40x128xi32, #tpu.memory_space<hbm>>
      %dma_wait3A_59 = tpu.memref_squeeze %dma_wait3A_58 : memref<1x1x40x128xi32, #tpu.memory_space<hbm>> -> memref<40x128xi32, #tpu.memory_space<hbm>>
      tpu.wait_dma2 semaphore(%run_scoped3A : memref<!tpu.dma_semaphore, #tpu.memory_space<semaphore_mem>>) src(%dma_wait3A_59 : memref<40x128xi32, #tpu.memory_space<hbm>>) dst(%arg8 : memref<40x128xi32, #tpu.memory_space<vmem>>)
      tpu.yield
    }) : () -> ()
    %dma_start3A_21 = arith.constant 0 : i32
    %dma_start3A_22 = arith.constant 0 : i32
    %dma_start3A_23 = arith.constant 0 : i32
    %dma_start3A_24 = arith.constant 0 : i32
    %dma_start3A_25 = tpu.memref_slice %arg9[%dma_start3A_22, %dma_start3A_23, %dma_start3A_24] : memref<2x128x128xf32, #tpu.memory_space<vmem>> -> memref<1x128x128xf32, #tpu.memory_space<vmem>>
    %dma_start3A_26 = tpu.memref_squeeze %dma_start3A_25 : memref<1x128x128xf32, #tpu.memory_space<vmem>> -> memref<128x128xf32, #tpu.memory_space<vmem>>
    %dma_start3A_27 = arith.constant 0 : i32
    %dma_start3A_28 = tpu.memref_slice %arg7[%dma_start3A_21, %dma_start3A_27] : memref<40x128xi32, #tpu.memory_space<vmem>> -> memref<1x128xi32, #tpu.memory_space<vmem>>
    %dma_start3A_29 = tpu.memref_squeeze %dma_start3A_28 : memref<1x128xi32, #tpu.memory_space<vmem>> -> memref<128xi32, #tpu.memory_space<vmem>>
    %dma_start3A_30 = arith.constant 0 : i32
    %dma_start3A_31 = arith.constant 0 : i32
    %dma_start3A_32 = tpu.memref_slice %arg2[%dma_start3A_30, %dma_start3A_31] : memref<10000x128xf32, #tpu.memory_space<hbm>> -> memref<10000x128xf32, #tpu.memory_space<hbm>>
    tpu.enqueue_indirect_dma source(%dma_start3A_32 : memref<10000x128xf32, #tpu.memory_space<hbm>>) target(%dma_start3A_26 : memref<128x128xf32, #tpu.memory_space<vmem>>) offsets(%dma_start3A_29 : memref<128xi32, #tpu.memory_space<vmem>>) semaphore(%arg10 : memref<!tpu.dma_semaphore, #tpu.memory_space<semaphore_mem>>)
    %scan3A_33 = arith.constant 0 : i32
    %scan3A_34 = arith.constant 0 : i32
    %scan3A_35 = arith.constant 20 : i32
    %scan3A_36 = arith.addi %scan3A_34, %scan3A_35 : i32
    %scan3A_37 = arith.constant 1 : i32
    scf.for %scan3A_44 = %scan3A_34 to %scan3A_36 step %scan3A_37  : i32 {
      %mul3A_45 = arith.constant 2 : i32
      %mul3A_46 = arith.muli %mul3A_45, %scan3A_44 : i32
      %dma_wait3A_47 = arith.constant 0 : i32
      %dma_wait3A_48 = arith.constant 0 : i32
      %dma_wait3A_49 = arith.constant 0 : i32
      %dma_wait3A_50 = arith.constant 0 : i32
      %dma_wait3A_51 = tpu.memref_slice %arg9[%dma_wait3A_48, %dma_wait3A_49, %dma_wait3A_50] : memref<2x128x128xf32, #tpu.memory_space<vmem>> -> memref<1x128x128xf32, #tpu.memory_space<vmem>>
      %dma_wait3A_52 = tpu.memref_squeeze %dma_wait3A_51 : memref<1x128x128xf32, #tpu.memory_space<vmem>> -> memref<128x128xf32, #tpu.memory_space<vmem>>
      %dma_wait3A_53 = arith.constant 0 : i32
      %dma_wait3A_54 = tpu.memref_slice %arg7[%dma_wait3A_47, %dma_wait3A_53] : memref<40x128xi32, #tpu.memory_space<vmem>> -> memref<1x128xi32, #tpu.memory_space<vmem>>
      %dma_wait3A_55 = tpu.memref_squeeze %dma_wait3A_54 : memref<1x128xi32, #tpu.memory_space<vmem>> -> memref<128xi32, #tpu.memory_space<vmem>>
      %dma_wait3A_56 = arith.constant 0 : i32
      %dma_wait3A_57 = arith.constant 0 : i32
      %dma_wait3A_58 = tpu.memref_slice %arg2[%dma_wait3A_56, %dma_wait3A_57] : memref<10000x128xf32, #tpu.memory_space<hbm>> -> memref<10000x128xf32, #tpu.memory_space<hbm>>
      tpu.wait_indirect_dma semaphore(%arg10 : memref<!tpu.dma_semaphore, #tpu.memory_space<semaphore_mem>>) src(%dma_wait3A_58 : memref<10000x128xf32, #tpu.memory_space<hbm>>) dst(%dma_wait3A_52 : memref<128x128xf32, #tpu.memory_space<vmem>>)
      %add3A = arith.constant 1 : i32
      %add3A_59 = arith.addi %mul3A_46, %add3A : i32
      %dma_start3A_60 = arith.constant 1 : i32
      %dma_start3A_61 = arith.constant 0 : i32
      %dma_start3A_62 = arith.constant 0 : i32
      %dma_start3A_63 = tpu.memref_slice %arg9[%dma_start3A_60, %dma_start3A_61, %dma_start3A_62] : memref<2x128x128xf32, #tpu.memory_space<vmem>> -> memref<1x128x128xf32, #tpu.memory_space<vmem>>
      %dma_start3A_64 = tpu.memref_squeeze %dma_start3A_63 : memref<1x128x128xf32, #tpu.memory_space<vmem>> -> memref<128x128xf32, #tpu.memory_space<vmem>>
      %dma_start3A_65 = arith.constant 0 : i32
      %dma_start3A_66 = tpu.memref_slice %arg7[%add3A_59, %dma_start3A_65] : memref<40x128xi32, #tpu.memory_space<vmem>> -> memref<1x128xi32, #tpu.memory_space<vmem>>
      %dma_start3A_67 = tpu.memref_squeeze %dma_start3A_66 : memref<1x128xi32, #tpu.memory_space<vmem>> -> memref<128xi32, #tpu.memory_space<vmem>>
      %dma_start3A_68 = arith.constant 0 : i32
      %dma_start3A_69 = arith.constant 0 : i32
      %dma_start3A_70 = tpu.memref_slice %arg2[%dma_start3A_68, %dma_start3A_69] : memref<10000x128xf32, #tpu.memory_space<hbm>> -> memref<10000x128xf32, #tpu.memory_space<hbm>>
      tpu.enqueue_indirect_dma source(%dma_start3A_70 : memref<10000x128xf32, #tpu.memory_space<hbm>>) target(%dma_start3A_64 : memref<128x128xf32, #tpu.memory_space<vmem>>) offsets(%dma_start3A_67 : memref<128xi32, #tpu.memory_space<vmem>>) semaphore(%arg11 : memref<!tpu.dma_semaphore, #tpu.memory_space<semaphore_mem>>)
      %run_scoped3A = arith.constant 0 : i32
      "tpu.region"() ({
        %run_scoped3A_90 = tpu.sem_alloc : memref<!tpu.dma_semaphore, #tpu.memory_space<semaphore_mem>>
        %dma_start3A_91 = arith.constant 0 : i32
        %dma_start3A_92 = arith.constant 0 : i32
        %dma_start3A_93 = tpu.memref_slice %arg9[%run_scoped3A, %dma_start3A_91, %dma_start3A_92] : memref<2x128x128xf32, #tpu.memory_space<vmem>> -> memref<1x128x128xf32, #tpu.memory_space<vmem>>
        %dma_start3A_94 = tpu.memref_squeeze %dma_start3A_93 : memref<1x128x128xf32, #tpu.memory_space<vmem>> -> memref<128x128xf32, #tpu.memory_space<vmem>>
        %dma_start3A_95 = arith.constant 0 : i32
        %dma_start3A_96 = tpu.memref_slice %arg8[%mul3A_46, %dma_start3A_95] : memref<40x128xi32, #tpu.memory_space<vmem>> -> memref<1x128xi32, #tpu.memory_space<vmem>>
        %dma_start3A_97 = tpu.memref_squeeze %dma_start3A_96 : memref<1x128xi32, #tpu.memory_space<vmem>> -> memref<128xi32, #tpu.memory_space<vmem>>
        %dma_start3A_98 = arith.constant 0 : i32
        %dma_start3A_99 = arith.constant 0 : i32
        %dma_start3A_100 = tpu.memref_slice %arg13[%dma_start3A_98, %dma_start3A_99] : memref<10240x128xf32, #tpu.memory_space<vmem_shared>> -> memref<10240x128xf32, #tpu.memory_space<vmem_shared>>
        tpu.enqueue_indirect_dma source(%dma_start3A_94 : memref<128x128xf32, #tpu.memory_space<vmem>>) target(%dma_start3A_100 : memref<10240x128xf32, #tpu.memory_space<vmem_shared>>) offsets(%dma_start3A_97 : memref<128xi32, #tpu.memory_space<vmem>>) semaphore(%run_scoped3A_90 : memref<!tpu.dma_semaphore, #tpu.memory_space<semaphore_mem>>) {add = true}
        %dma_wait3A_101 = arith.constant 0 : i32
        %dma_wait3A_102 = arith.constant 0 : i32
        %dma_wait3A_103 = tpu.memref_slice %arg9[%run_scoped3A, %dma_wait3A_101, %dma_wait3A_102] : memref<2x128x128xf32, #tpu.memory_space<vmem>> -> memref<1x128x128xf32, #tpu.memory_space<vmem>>
        %dma_wait3A_104 = tpu.memref_squeeze %dma_wait3A_103 : memref<1x128x128xf32, #tpu.memory_space<vmem>> -> memref<128x128xf32, #tpu.memory_space<vmem>>
        %dma_wait3A_105 = arith.constant 0 : i32
        %dma_wait3A_106 = tpu.memref_slice %arg8[%mul3A_46, %dma_wait3A_105] : memref<40x128xi32, #tpu.memory_space<vmem>> -> memref<1x128xi32, #tpu.memory_space<vmem>>
        %dma_wait3A_107 = tpu.memref_squeeze %dma_wait3A_106 : memref<1x128xi32, #tpu.memory_space<vmem>> -> memref<128xi32, #tpu.memory_space<vmem>>
        %dma_wait3A_108 = arith.constant 0 : i32
        %dma_wait3A_109 = arith.constant 0 : i32
        %dma_wait3A_110 = tpu.memref_slice %arg13[%dma_wait3A_108, %dma_wait3A_109] : memref<10240x128xf32, #tpu.memory_space<vmem_shared>> -> memref<10240x128xf32, #tpu.memory_space<vmem_shared>>
        tpu.wait_indirect_dma semaphore(%run_scoped3A_90 : memref<!tpu.dma_semaphore, #tpu.memory_space<semaphore_mem>>) src(%dma_wait3A_104 : memref<128x128xf32, #tpu.memory_space<vmem>>) dst(%dma_wait3A_110 : memref<10240x128xf32, #tpu.memory_space<vmem_shared>>)
        tpu.yield
      }) : () -> ()
      %dma_wait3A_71 = arith.constant 1 : i32
      %dma_wait3A_72 = arith.constant 1 : i32
      %dma_wait3A_73 = arith.constant 0 : i32
      %dma_wait3A_74 = arith.constant 0 : i32
      %dma_wait3A_75 = tpu.memref_slice %arg9[%dma_wait3A_72, %dma_wait3A_73, %dma_wait3A_74] : memref<2x128x128xf32, #tpu.memory_space<vmem>> -> memref<1x128x128xf32, #tpu.memory_space<vmem>>
      %dma_wait3A_76 = tpu.memref_squeeze %dma_wait3A_75 : memref<1x128x128xf32, #tpu.memory_space<vmem>> -> memref<128x128xf32, #tpu.memory_space<vmem>>
      %dma_wait3A_77 = arith.constant 0 : i32
      %dma_wait3A_78 = tpu.memref_slice %arg7[%dma_wait3A_71, %dma_wait3A_77] : memref<40x128xi32, #tpu.memory_space<vmem>> -> memref<1x128xi32, #tpu.memory_space<vmem>>
      %dma_wait3A_79 = tpu.memref_squeeze %dma_wait3A_78 : memref<1x128xi32, #tpu.memory_space<vmem>> -> memref<128xi32, #tpu.memory_space<vmem>>
      %dma_wait3A_80 = arith.constant 0 : i32
      %dma_wait3A_81 = arith.constant 0 : i32
      %dma_wait3A_82 = tpu.memref_slice %arg2[%dma_wait3A_80, %dma_wait3A_81] : memref<10000x128xf32, #tpu.memory_space<hbm>> -> memref<10000x128xf32, #tpu.memory_space<hbm>>
      tpu.wait_indirect_dma semaphore(%arg11 : memref<!tpu.dma_semaphore, #tpu.memory_space<semaphore_mem>>) src(%dma_wait3A_82 : memref<10000x128xf32, #tpu.memory_space<hbm>>) dst(%dma_wait3A_76 : memref<128x128xf32, #tpu.memory_space<vmem>>)
      %add3A_83 = arith.constant 2 : i32
      %add3A_84 = arith.addi %mul3A_46, %add3A_83 : i32
      %lt3A = arith.constant 40 : i32
      %lt3A_85 = arith.cmpi slt, %add3A_84, %lt3A : i32
      %convert_element_type3A = arith.extui %lt3A_85 : i1 to i32
      %cond3A = arith.constant 0 : i32
      %cond3A_86 = arith.cmpi ne, %convert_element_type3A, %cond3A : i32
      scf.if %cond3A_86 {
        %add3A_90 = arith.constant 2 : i32
        %add3A_91 = arith.addi %mul3A_46, %add3A_90 : i32
        %dma_start3A_92 = arith.constant 0 : i32
        %dma_start3A_93 = arith.constant 0 : i32
        %dma_start3A_94 = arith.constant 0 : i32
        %dma_start3A_95 = tpu.memref_slice %arg9[%dma_start3A_92, %dma_start3A_93, %dma_start3A_94] : memref<2x128x128xf32, #tpu.memory_space<vmem>> -> memref<1x128x128xf32, #tpu.memory_space<vmem>>
        %dma_start3A_96 = tpu.memref_squeeze %dma_start3A_95 : memref<1x128x128xf32, #tpu.memory_space<vmem>> -> memref<128x128xf32, #tpu.memory_space<vmem>>
        %dma_start3A_97 = arith.constant 0 : i32
        %dma_start3A_98 = tpu.memref_slice %arg7[%add3A_91, %dma_start3A_97] : memref<40x128xi32, #tpu.memory_space<vmem>> -> memref<1x128xi32, #tpu.memory_space<vmem>>
        %dma_start3A_99 = tpu.memref_squeeze %dma_start3A_98 : memref<1x128xi32, #tpu.memory_space<vmem>> -> memref<128xi32, #tpu.memory_space<vmem>>
        %dma_start3A_100 = arith.constant 0 : i32
        %dma_start3A_101 = arith.constant 0 : i32
        %dma_start3A_102 = tpu.memref_slice %arg2[%dma_start3A_100, %dma_start3A_101] : memref<10000x128xf32, #tpu.memory_space<hbm>> -> memref<10000x128xf32, #tpu.memory_space<hbm>>
        tpu.enqueue_indirect_dma source(%dma_start3A_102 : memref<10000x128xf32, #tpu.memory_space<hbm>>) target(%dma_start3A_96 : memref<128x128xf32, #tpu.memory_space<vmem>>) offsets(%dma_start3A_99 : memref<128xi32, #tpu.memory_space<vmem>>) semaphore(%arg10 : memref<!tpu.dma_semaphore, #tpu.memory_space<semaphore_mem>>)
      } else {
      }
      %add3A_87 = arith.constant 1 : i32
      %add3A_88 = arith.addi %mul3A_46, %add3A_87 : i32
      %run_scoped3A_89 = arith.constant 1 : i32
      "tpu.region"() ({
        %run_scoped3A_90 = tpu.sem_alloc : memref<!tpu.dma_semaphore, #tpu.memory_space<semaphore_mem>>
        %dma_start3A_91 = arith.constant 0 : i32
        %dma_start3A_92 = arith.constant 0 : i32
        %dma_start3A_93 = tpu.memref_slice %arg9[%run_scoped3A_89, %dma_start3A_91, %dma_start3A_92] : memref<2x128x128xf32, #tpu.memory_space<vmem>> -> memref<1x128x128xf32, #tpu.memory_space<vmem>>
        %dma_start3A_94 = tpu.memref_squeeze %dma_start3A_93 : memref<1x128x128xf32, #tpu.memory_space<vmem>> -> memref<128x128xf32, #tpu.memory_space<vmem>>
        %dma_start3A_95 = arith.constant 0 : i32
        %dma_start3A_96 = tpu.memref_slice %arg8[%add3A_88, %dma_start3A_95] : memref<40x128xi32, #tpu.memory_space<vmem>> -> memref<1x128xi32, #tpu.memory_space<vmem>>
        %dma_start3A_97 = tpu.memref_squeeze %dma_start3A_96 : memref<1x128xi32, #tpu.memory_space<vmem>> -> memref<128xi32, #tpu.memory_space<vmem>>
        %dma_start3A_98 = arith.constant 0 : i32
        %dma_start3A_99 = arith.constant 0 : i32
        %dma_start3A_100 = tpu.memref_slice %arg13[%dma_start3A_98, %dma_start3A_99] : memref<10240x128xf32, #tpu.memory_space<vmem_shared>> -> memref<10240x128xf32, #tpu.memory_space<vmem_shared>>
        tpu.enqueue_indirect_dma source(%dma_start3A_94 : memref<128x128xf32, #tpu.memory_space<vmem>>) target(%dma_start3A_100 : memref<10240x128xf32, #tpu.memory_space<vmem_shared>>) offsets(%dma_start3A_97 : memref<128xi32, #tpu.memory_space<vmem>>) semaphore(%run_scoped3A_90 : memref<!tpu.dma_semaphore, #tpu.memory_space<semaphore_mem>>) {add = true}
        %dma_wait3A_101 = arith.constant 0 : i32
        %dma_wait3A_102 = arith.constant 0 : i32
        %dma_wait3A_103 = tpu.memref_slice %arg9[%run_scoped3A_89, %dma_wait3A_101, %dma_wait3A_102] : memref<2x128x128xf32, #tpu.memory_space<vmem>> -> memref<1x128x128xf32, #tpu.memory_space<vmem>>
        %dma_wait3A_104 = tpu.memref_squeeze %dma_wait3A_103 : memref<1x128x128xf32, #tpu.memory_space<vmem>> -> memref<128x128xf32, #tpu.memory_space<vmem>>
        %dma_wait3A_105 = arith.constant 0 : i32
        %dma_wait3A_106 = tpu.memref_slice %arg8[%add3A_88, %dma_wait3A_105] : memref<40x128xi32, #tpu.memory_space<vmem>> -> memref<1x128xi32, #tpu.memory_space<vmem>>
        %dma_wait3A_107 = tpu.memref_squeeze %dma_wait3A_106 : memref<1x128xi32, #tpu.memory_space<vmem>> -> memref<128xi32, #tpu.memory_space<vmem>>
        %dma_wait3A_108 = arith.constant 0 : i32
        %dma_wait3A_109 = arith.constant 0 : i32
        %dma_wait3A_110 = tpu.memref_slice %arg13[%dma_wait3A_108, %dma_wait3A_109] : memref<10240x128xf32, #tpu.memory_space<vmem_shared>> -> memref<10240x128xf32, #tpu.memory_space<vmem_shared>>
        tpu.wait_indirect_dma semaphore(%run_scoped3A_90 : memref<!tpu.dma_semaphore, #tpu.memory_space<semaphore_mem>>) src(%dma_wait3A_104 : memref<128x128xf32, #tpu.memory_space<vmem>>) dst(%dma_wait3A_110 : memref<10240x128xf32, #tpu.memory_space<vmem_shared>>)
        tpu.yield
      }) : () -> ()
    }
    %scan3A_38 = arith.constant 20 : i32
    %barrier3A_39 = arith.constant 0 : index
    tpu.barrier barrier_id(%barrier3A_39)
    %mul3A_40 = arith.constant 640 : i32
    %mul3A_41 = arith.muli %arg1, %mul3A_40 : i32
    %mul3A_42 = arith.constant 640 : i32
    %mul3A_43 = arith.muli %arg1, %mul3A_42 : i32
    "tpu.region"() ({
      %run_scoped3A = tpu.sem_alloc : memref<!tpu.dma_semaphore, #tpu.memory_space<semaphore_mem>>
      %dma_start3A_44 = arith.constant 0 : i32
      %dma_start3A_45 = tpu.memref_slice %arg6[%arg0, %mul3A_43, %dma_start3A_44] : memref<2x10240x128xf32, #tpu.memory_space<hbm>> -> memref<1x640x128xf32, #tpu.memory_space<hbm>>
      %dma_start3A_46 = tpu.memref_squeeze %dma_start3A_45 : memref<1x640x128xf32, #tpu.memory_space<hbm>> -> memref<640x128xf32, #tpu.memory_space<hbm>>
      %dma_start3A_47 = arith.constant 0 : i32
      %dma_start3A_48 = tpu.memref_slice %arg13[%mul3A_41, %dma_start3A_47] : memref<10240x128xf32, #tpu.memory_space<vmem_shared>> -> memref<640x128xf32, #tpu.memory_space<vmem_shared>>
      tpu.enqueue_dma source(%dma_start3A_48 : memref<640x128xf32, #tpu.memory_space<vmem_shared>>) target(%dma_start3A_46 : memref<640x128xf32, #tpu.memory_space<hbm>>) target_semaphore(%run_scoped3A : memref<!tpu.dma_semaphore, #tpu.memory_space<semaphore_mem>>)
      %dma_wait3A_49 = arith.constant 0 : i32
      %dma_wait3A_50 = tpu.memref_slice %arg6[%arg0, %mul3A_43, %dma_wait3A_49] : memref<2x10240x128xf32, #tpu.memory_space<hbm>> -> memref<1x640x128xf32, #tpu.memory_space<hbm>>
      %dma_wait3A_51 = tpu.memref_squeeze %dma_wait3A_50 : memref<1x640x128xf32, #tpu.memory_space<hbm>> -> memref<640x128xf32, #tpu.memory_space<hbm>>
      %dma_wait3A_52 = arith.constant 0 : i32
      %dma_wait3A_53 = tpu.memref_slice %arg13[%mul3A_41, %dma_wait3A_52] : memref<10240x128xf32, #tpu.memory_space<vmem_shared>> -> memref<640x128xf32, #tpu.memory_space<vmem_shared>>
      tpu.wait_dma2 semaphore(%run_scoped3A : memref<!tpu.dma_semaphore, #tpu.memory_space<semaphore_mem>>) src(%dma_wait3A_53 : memref<640x128xf32, #tpu.memory_space<vmem_shared>>) dst(%dma_wait3A_51 : memref<640x128xf32, #tpu.memory_space<hbm>>)
      tpu.yield
    }) : () -> ()
    return
  }
}

#map = affine_map<(d0, d1) -> (0, 0)>
#map1 = affine_map<(d0, d1) -> (0, 0, 0, 0)>
#map2 = affine_map<(d0, d1) -> (0, 0, 0)>
module attributes {stable_mosaic.version = 14 : i64} {
  func.func @_agg_kernel(%arg0: i32, %arg1: i32, %arg2: memref<10000x128xf32, #tpu.memory_space<hbm>>, %arg3: memref<2x16x80x128xi32, #tpu.memory_space<hbm>>, %arg4: memref<2x16x80x128xi32, #tpu.memory_space<hbm>>, %arg5: memref<640x128xf32, #tpu.memory_space<hbm>>, %arg6: memref<2x10240x128xf32, #tpu.memory_space<hbm>>, %arg7: memref<40x128xi32, #tpu.memory_space<vmem>>, %arg8: memref<40x128xi32, #tpu.memory_space<vmem>>, %arg9: memref<2x128x128xf32, #tpu.memory_space<vmem>>, %arg10: memref<!tpu.dma_semaphore, #tpu.memory_space<semaphore_mem>>, %arg11: memref<!tpu.dma_semaphore, #tpu.memory_space<semaphore_mem>>, %arg12: memref<!tpu.dma_semaphore, #tpu.memory_space<semaphore_mem>>, %arg13: memref<10240x128xf32, #tpu.memory_space<vmem_shared>>) attributes {dimension_semantics = [#tpu.dimension_semantics<core_parallel>, #tpu.dimension_semantics<subcore_parallel>], iteration_bounds = array<i64: 2, 16>, scalar_prefetch = 0 : i64, scratch_operands = 7 : i64, tpu.core_type = #tpu.core_type<sc_vector_subcore>, window_params = [{transform_indices = #map}, {transform_indices = #map1}, {transform_indices = #map1}, {transform_indices = #map}, {transform_indices = #map2}]} {
    %mul3A = arith.constant 640 : i32
    %mul3A_0 = arith.muli %arg1, %mul3A : i32
    %dma_start3A = arith.constant 0 : i32
    %dma_start3A_1 = tpu.memref_slice %arg13[%mul3A_0, %dma_start3A] : memref<10240x128xf32, #tpu.memory_space<vmem_shared>> -> memref<640x128xf32, #tpu.memory_space<vmem_shared>>
    tpu.enqueue_dma source(%arg5 : memref<640x128xf32, #tpu.memory_space<hbm>>) target(%dma_start3A_1 : memref<640x128xf32, #tpu.memory_space<vmem_shared>>) target_semaphore(%arg12 : memref<!tpu.dma_semaphore, #tpu.memory_space<semaphore_mem>>)
    "tpu.region"() ({
      %run_scoped3A = tpu.sem_alloc : memref<!tpu.dma_semaphore, #tpu.memory_space<semaphore_mem>>
      %dma_start3A_44 = arith.constant 0 : i32
      %dma_start3A_45 = arith.constant 0 : i32
      %dma_start3A_46 = tpu.memref_slice %arg3[%arg0, %arg1, %dma_start3A_44, %dma_start3A_45] : memref<2x16x80x128xi32, #tpu.memory_space<hbm>> -> memref<1x1x40x128xi32, #tpu.memory_space<hbm>>
      %dma_start3A_47 = tpu.memref_squeeze %dma_start3A_46 : memref<1x1x40x128xi32, #tpu.memory_space<hbm>> -> memref<40x128xi32, #tpu.memory_space<hbm>>
      %dma_start3A_48 = arith.constant 0 : i32
      %dma_start3A_49 = arith.constant 0 : i32
      %dma_start3A_50 = tpu.memref_slice %arg3[%arg0, %arg1, %dma_start3A_48, %dma_start3A_49] : memref<2x16x80x128xi32, #tpu.memory_space<hbm>> -> memref<1x1x40x128xi32, #tpu.memory_space<hbm>>
      %dma_start3A_51 = tpu.memref_squeeze %dma_start3A_50 : memref<1x1x40x128xi32, #tpu.memory_space<hbm>> -> memref<40x128xi32, #tpu.memory_space<hbm>>
      tpu.enqueue_dma source(%dma_start3A_51 : memref<40x128xi32, #tpu.memory_space<hbm>>) target(%arg7 : memref<40x128xi32, #tpu.memory_space<vmem>>) target_semaphore(%run_scoped3A : memref<!tpu.dma_semaphore, #tpu.memory_space<semaphore_mem>>)
      %dma_wait3A_52 = arith.constant 0 : i32
      %dma_wait3A_53 = arith.constant 0 : i32
      %dma_wait3A_54 = tpu.memref_slice %arg3[%arg0, %arg1, %dma_wait3A_52, %dma_wait3A_53] : memref<2x16x80x128xi32, #tpu.memory_space<hbm>> -> memref<1x1x40x128xi32, #tpu.memory_space<hbm>>
      %dma_wait3A_55 = tpu.memref_squeeze %dma_wait3A_54 : memref<1x1x40x128xi32, #tpu.memory_space<hbm>> -> memref<40x128xi32, #tpu.memory_space<hbm>>
      %dma_wait3A_56 = arith.constant 0 : i32
      %dma_wait3A_57 = arith.constant 0 : i32
      %dma_wait3A_58 = tpu.memref_slice %arg3[%arg0, %arg1, %dma_wait3A_56, %dma_wait3A_57] : memref<2x16x80x128xi32, #tpu.memory_space<hbm>> -> memref<1x1x40x128xi32, #tpu.memory_space<hbm>>
      %dma_wait3A_59 = tpu.memref_squeeze %dma_wait3A_58 : memref<1x1x40x128xi32, #tpu.memory_space<hbm>> -> memref<40x128xi32, #tpu.memory_space<hbm>>
      tpu.wait_dma2 semaphore(%run_scoped3A : memref<!tpu.dma_semaphore, #tpu.memory_space<semaphore_mem>>) src(%dma_wait3A_59 : memref<40x128xi32, #tpu.memory_space<hbm>>) dst(%arg7 : memref<40x128xi32, #tpu.memory_space<vmem>>)
      tpu.yield
    }) : () -> ()
    "tpu.region"() ({
      %run_scoped3A = tpu.sem_alloc : memref<!tpu.dma_semaphore, #tpu.memory_space<semaphore_mem>>
      %dma_start3A_44 = arith.constant 0 : i32
      %dma_start3A_45 = arith.constant 0 : i32
      %dma_start3A_46 = tpu.memref_slice %arg4[%arg0, %arg1, %dma_start3A_44, %dma_start3A_45] : memref<2x16x80x128xi32, #tpu.memory_space<hbm>> -> memref<1x1x40x128xi32, #tpu.memory_space<hbm>>
      %dma_start3A_47 = tpu.memref_squeeze %dma_start3A_46 : memref<1x1x40x128xi32, #tpu.memory_space<hbm>> -> memref<40x128xi32, #tpu.memory_space<hbm>>
      %dma_start3A_48 = arith.constant 0 : i32
      %dma_start3A_49 = arith.constant 0 : i32
      %dma_start3A_50 = tpu.memref_slice %arg4[%arg0, %arg1, %dma_start3A_48, %dma_start3A_49] : memref<2x16x80x128xi32, #tpu.memory_space<hbm>> -> memref<1x1x40x128xi32, #tpu.memory_space<hbm>>
      %dma_start3A_51 = tpu.memref_squeeze %dma_start3A_50 : memref<1x1x40x128xi32, #tpu.memory_space<hbm>> -> memref<40x128xi32, #tpu.memory_space<hbm>>
      tpu.enqueue_dma source(%dma_start3A_51 : memref<40x128xi32, #tpu.memory_space<hbm>>) target(%arg8 : memref<40x128xi32, #tpu.memory_space<vmem>>) target_semaphore(%run_scoped3A : memref<!tpu.dma_semaphore, #tpu.memory_space<semaphore_mem>>)
      %dma_wait3A_52 = arith.constant 0 : i32
      %dma_wait3A_53 = arith.constant 0 : i32
      %dma_wait3A_54 = tpu.memref_slice %arg4[%arg0, %arg1, %dma_wait3A_52, %dma_wait3A_53] : memref<2x16x80x128xi32, #tpu.memory_space<hbm>> -> memref<1x1x40x128xi32, #tpu.memory_space<hbm>>
      %dma_wait3A_55 = tpu.memref_squeeze %dma_wait3A_54 : memref<1x1x40x128xi32, #tpu.memory_space<hbm>> -> memref<40x128xi32, #tpu.memory_space<hbm>>
      %dma_wait3A_56 = arith.constant 0 : i32
      %dma_wait3A_57 = arith.constant 0 : i32
      %dma_wait3A_58 = tpu.memref_slice %arg4[%arg0, %arg1, %dma_wait3A_56, %dma_wait3A_57] : memref<2x16x80x128xi32, #tpu.memory_space<hbm>> -> memref<1x1x40x128xi32, #tpu.memory_space<hbm>>
      %dma_wait3A_59 = tpu.memref_squeeze %dma_wait3A_58 : memref<1x1x40x128xi32, #tpu.memory_space<hbm>> -> memref<40x128xi32, #tpu.memory_space<hbm>>
      tpu.wait_dma2 semaphore(%run_scoped3A : memref<!tpu.dma_semaphore, #tpu.memory_space<semaphore_mem>>) src(%dma_wait3A_59 : memref<40x128xi32, #tpu.memory_space<hbm>>) dst(%arg8 : memref<40x128xi32, #tpu.memory_space<vmem>>)
      tpu.yield
    }) : () -> ()
    %dma_start3A_2 = arith.constant 0 : i32
    %dma_start3A_3 = arith.constant 0 : i32
    %dma_start3A_4 = arith.constant 0 : i32
    %dma_start3A_5 = arith.constant 0 : i32
    %dma_start3A_6 = tpu.memref_slice %arg9[%dma_start3A_3, %dma_start3A_4, %dma_start3A_5] : memref<2x128x128xf32, #tpu.memory_space<vmem>> -> memref<1x128x128xf32, #tpu.memory_space<vmem>>
    %dma_start3A_7 = tpu.memref_squeeze %dma_start3A_6 : memref<1x128x128xf32, #tpu.memory_space<vmem>> -> memref<128x128xf32, #tpu.memory_space<vmem>>
    %dma_start3A_8 = arith.constant 0 : i32
    %dma_start3A_9 = tpu.memref_slice %arg7[%dma_start3A_2, %dma_start3A_8] : memref<40x128xi32, #tpu.memory_space<vmem>> -> memref<1x128xi32, #tpu.memory_space<vmem>>
    %dma_start3A_10 = tpu.memref_squeeze %dma_start3A_9 : memref<1x128xi32, #tpu.memory_space<vmem>> -> memref<128xi32, #tpu.memory_space<vmem>>
    %dma_start3A_11 = arith.constant 0 : i32
    %dma_start3A_12 = arith.constant 0 : i32
    %dma_start3A_13 = tpu.memref_slice %arg2[%dma_start3A_11, %dma_start3A_12] : memref<10000x128xf32, #tpu.memory_space<hbm>> -> memref<10000x128xf32, #tpu.memory_space<hbm>>
    tpu.enqueue_indirect_dma source(%dma_start3A_13 : memref<10000x128xf32, #tpu.memory_space<hbm>>) target(%dma_start3A_7 : memref<128x128xf32, #tpu.memory_space<vmem>>) offsets(%dma_start3A_10 : memref<128xi32, #tpu.memory_space<vmem>>) semaphore(%arg10 : memref<!tpu.dma_semaphore, #tpu.memory_space<semaphore_mem>>)
    %dma_wait3A = arith.constant 0 : i32
    %dma_wait3A_14 = arith.constant 0 : i32
    %dma_wait3A_15 = tpu.memref_slice %arg13[%dma_wait3A, %dma_wait3A_14] : memref<10240x128xf32, #tpu.memory_space<vmem_shared>> -> memref<640x128xf32, #tpu.memory_space<vmem_shared>>
    tpu.wait_dma2 semaphore(%arg12 : memref<!tpu.dma_semaphore, #tpu.memory_space<semaphore_mem>>) src(%arg5 : memref<640x128xf32, #tpu.memory_space<hbm>>) dst(%dma_wait3A_15 : memref<640x128xf32, #tpu.memory_space<vmem_shared>>)
    %barrier3A = arith.constant 0 : index
    tpu.barrier barrier_id(%barrier3A)
    %scan3A = arith.constant 0 : i32
    %scan3A_16 = arith.constant 0 : i32
    %scan3A_17 = arith.constant 20 : i32
    %scan3A_18 = arith.addi %scan3A_16, %scan3A_17 : i32
    %scan3A_19 = arith.constant 1 : i32
    scf.for %scan3A_44 = %scan3A_16 to %scan3A_18 step %scan3A_19  : i32 {
      %mul3A_45 = arith.constant 2 : i32
      %mul3A_46 = arith.muli %mul3A_45, %scan3A_44 : i32
      %dma_wait3A_47 = arith.constant 0 : i32
      %dma_wait3A_48 = arith.constant 0 : i32
      %dma_wait3A_49 = arith.constant 0 : i32
      %dma_wait3A_50 = arith.constant 0 : i32
      %dma_wait3A_51 = tpu.memref_slice %arg9[%dma_wait3A_48, %dma_wait3A_49, %dma_wait3A_50] : memref<2x128x128xf32, #tpu.memory_space<vmem>> -> memref<1x128x128xf32, #tpu.memory_space<vmem>>
      %dma_wait3A_52 = tpu.memref_squeeze %dma_wait3A_51 : memref<1x128x128xf32, #tpu.memory_space<vmem>> -> memref<128x128xf32, #tpu.memory_space<vmem>>
      %dma_wait3A_53 = arith.constant 0 : i32
      %dma_wait3A_54 = tpu.memref_slice %arg7[%dma_wait3A_47, %dma_wait3A_53] : memref<40x128xi32, #tpu.memory_space<vmem>> -> memref<1x128xi32, #tpu.memory_space<vmem>>
      %dma_wait3A_55 = tpu.memref_squeeze %dma_wait3A_54 : memref<1x128xi32, #tpu.memory_space<vmem>> -> memref<128xi32, #tpu.memory_space<vmem>>
      %dma_wait3A_56 = arith.constant 0 : i32
      %dma_wait3A_57 = arith.constant 0 : i32
      %dma_wait3A_58 = tpu.memref_slice %arg2[%dma_wait3A_56, %dma_wait3A_57] : memref<10000x128xf32, #tpu.memory_space<hbm>> -> memref<10000x128xf32, #tpu.memory_space<hbm>>
      tpu.wait_indirect_dma semaphore(%arg10 : memref<!tpu.dma_semaphore, #tpu.memory_space<semaphore_mem>>) src(%dma_wait3A_58 : memref<10000x128xf32, #tpu.memory_space<hbm>>) dst(%dma_wait3A_52 : memref<128x128xf32, #tpu.memory_space<vmem>>)
      %add3A = arith.constant 1 : i32
      %add3A_59 = arith.addi %mul3A_46, %add3A : i32
      %dma_start3A_60 = arith.constant 1 : i32
      %dma_start3A_61 = arith.constant 0 : i32
      %dma_start3A_62 = arith.constant 0 : i32
      %dma_start3A_63 = tpu.memref_slice %arg9[%dma_start3A_60, %dma_start3A_61, %dma_start3A_62] : memref<2x128x128xf32, #tpu.memory_space<vmem>> -> memref<1x128x128xf32, #tpu.memory_space<vmem>>
      %dma_start3A_64 = tpu.memref_squeeze %dma_start3A_63 : memref<1x128x128xf32, #tpu.memory_space<vmem>> -> memref<128x128xf32, #tpu.memory_space<vmem>>
      %dma_start3A_65 = arith.constant 0 : i32
      %dma_start3A_66 = tpu.memref_slice %arg7[%add3A_59, %dma_start3A_65] : memref<40x128xi32, #tpu.memory_space<vmem>> -> memref<1x128xi32, #tpu.memory_space<vmem>>
      %dma_start3A_67 = tpu.memref_squeeze %dma_start3A_66 : memref<1x128xi32, #tpu.memory_space<vmem>> -> memref<128xi32, #tpu.memory_space<vmem>>
      %dma_start3A_68 = arith.constant 0 : i32
      %dma_start3A_69 = arith.constant 0 : i32
      %dma_start3A_70 = tpu.memref_slice %arg2[%dma_start3A_68, %dma_start3A_69] : memref<10000x128xf32, #tpu.memory_space<hbm>> -> memref<10000x128xf32, #tpu.memory_space<hbm>>
      tpu.enqueue_indirect_dma source(%dma_start3A_70 : memref<10000x128xf32, #tpu.memory_space<hbm>>) target(%dma_start3A_64 : memref<128x128xf32, #tpu.memory_space<vmem>>) offsets(%dma_start3A_67 : memref<128xi32, #tpu.memory_space<vmem>>) semaphore(%arg11 : memref<!tpu.dma_semaphore, #tpu.memory_space<semaphore_mem>>)
      %run_scoped3A = arith.constant 0 : i32
      "tpu.region"() ({
        %run_scoped3A_90 = tpu.sem_alloc : memref<!tpu.dma_semaphore, #tpu.memory_space<semaphore_mem>>
        %dma_start3A_91 = arith.constant 0 : i32
        %dma_start3A_92 = arith.constant 0 : i32
        %dma_start3A_93 = tpu.memref_slice %arg9[%run_scoped3A, %dma_start3A_91, %dma_start3A_92] : memref<2x128x128xf32, #tpu.memory_space<vmem>> -> memref<1x128x128xf32, #tpu.memory_space<vmem>>
        %dma_start3A_94 = tpu.memref_squeeze %dma_start3A_93 : memref<1x128x128xf32, #tpu.memory_space<vmem>> -> memref<128x128xf32, #tpu.memory_space<vmem>>
        %dma_start3A_95 = arith.constant 0 : i32
        %dma_start3A_96 = tpu.memref_slice %arg8[%mul3A_46, %dma_start3A_95] : memref<40x128xi32, #tpu.memory_space<vmem>> -> memref<1x128xi32, #tpu.memory_space<vmem>>
        %dma_start3A_97 = tpu.memref_squeeze %dma_start3A_96 : memref<1x128xi32, #tpu.memory_space<vmem>> -> memref<128xi32, #tpu.memory_space<vmem>>
        %dma_start3A_98 = arith.constant 0 : i32
        %dma_start3A_99 = arith.constant 0 : i32
        %dma_start3A_100 = tpu.memref_slice %arg13[%dma_start3A_98, %dma_start3A_99] : memref<10240x128xf32, #tpu.memory_space<vmem_shared>> -> memref<10240x128xf32, #tpu.memory_space<vmem_shared>>
        tpu.enqueue_indirect_dma source(%dma_start3A_94 : memref<128x128xf32, #tpu.memory_space<vmem>>) target(%dma_start3A_100 : memref<10240x128xf32, #tpu.memory_space<vmem_shared>>) offsets(%dma_start3A_97 : memref<128xi32, #tpu.memory_space<vmem>>) semaphore(%run_scoped3A_90 : memref<!tpu.dma_semaphore, #tpu.memory_space<semaphore_mem>>) {add = true}
        %dma_wait3A_101 = arith.constant 0 : i32
        %dma_wait3A_102 = arith.constant 0 : i32
        %dma_wait3A_103 = tpu.memref_slice %arg9[%run_scoped3A, %dma_wait3A_101, %dma_wait3A_102] : memref<2x128x128xf32, #tpu.memory_space<vmem>> -> memref<1x128x128xf32, #tpu.memory_space<vmem>>
        %dma_wait3A_104 = tpu.memref_squeeze %dma_wait3A_103 : memref<1x128x128xf32, #tpu.memory_space<vmem>> -> memref<128x128xf32, #tpu.memory_space<vmem>>
        %dma_wait3A_105 = arith.constant 0 : i32
        %dma_wait3A_106 = tpu.memref_slice %arg8[%mul3A_46, %dma_wait3A_105] : memref<40x128xi32, #tpu.memory_space<vmem>> -> memref<1x128xi32, #tpu.memory_space<vmem>>
        %dma_wait3A_107 = tpu.memref_squeeze %dma_wait3A_106 : memref<1x128xi32, #tpu.memory_space<vmem>> -> memref<128xi32, #tpu.memory_space<vmem>>
        %dma_wait3A_108 = arith.constant 0 : i32
        %dma_wait3A_109 = arith.constant 0 : i32
        %dma_wait3A_110 = tpu.memref_slice %arg13[%dma_wait3A_108, %dma_wait3A_109] : memref<10240x128xf32, #tpu.memory_space<vmem_shared>> -> memref<10240x128xf32, #tpu.memory_space<vmem_shared>>
        tpu.wait_indirect_dma semaphore(%run_scoped3A_90 : memref<!tpu.dma_semaphore, #tpu.memory_space<semaphore_mem>>) src(%dma_wait3A_104 : memref<128x128xf32, #tpu.memory_space<vmem>>) dst(%dma_wait3A_110 : memref<10240x128xf32, #tpu.memory_space<vmem_shared>>)
        tpu.yield
      }) : () -> ()
      %dma_wait3A_71 = arith.constant 1 : i32
      %dma_wait3A_72 = arith.constant 1 : i32
      %dma_wait3A_73 = arith.constant 0 : i32
      %dma_wait3A_74 = arith.constant 0 : i32
      %dma_wait3A_75 = tpu.memref_slice %arg9[%dma_wait3A_72, %dma_wait3A_73, %dma_wait3A_74] : memref<2x128x128xf32, #tpu.memory_space<vmem>> -> memref<1x128x128xf32, #tpu.memory_space<vmem>>
      %dma_wait3A_76 = tpu.memref_squeeze %dma_wait3A_75 : memref<1x128x128xf32, #tpu.memory_space<vmem>> -> memref<128x128xf32, #tpu.memory_space<vmem>>
      %dma_wait3A_77 = arith.constant 0 : i32
      %dma_wait3A_78 = tpu.memref_slice %arg7[%dma_wait3A_71, %dma_wait3A_77] : memref<40x128xi32, #tpu.memory_space<vmem>> -> memref<1x128xi32, #tpu.memory_space<vmem>>
      %dma_wait3A_79 = tpu.memref_squeeze %dma_wait3A_78 : memref<1x128xi32, #tpu.memory_space<vmem>> -> memref<128xi32, #tpu.memory_space<vmem>>
      %dma_wait3A_80 = arith.constant 0 : i32
      %dma_wait3A_81 = arith.constant 0 : i32
      %dma_wait3A_82 = tpu.memref_slice %arg2[%dma_wait3A_80, %dma_wait3A_81] : memref<10000x128xf32, #tpu.memory_space<hbm>> -> memref<10000x128xf32, #tpu.memory_space<hbm>>
      tpu.wait_indirect_dma semaphore(%arg11 : memref<!tpu.dma_semaphore, #tpu.memory_space<semaphore_mem>>) src(%dma_wait3A_82 : memref<10000x128xf32, #tpu.memory_space<hbm>>) dst(%dma_wait3A_76 : memref<128x128xf32, #tpu.memory_space<vmem>>)
      %add3A_83 = arith.constant 2 : i32
      %add3A_84 = arith.addi %mul3A_46, %add3A_83 : i32
      %lt3A = arith.constant 40 : i32
      %lt3A_85 = arith.cmpi slt, %add3A_84, %lt3A : i32
      %convert_element_type3A = arith.extui %lt3A_85 : i1 to i32
      %cond3A = arith.constant 0 : i32
      %cond3A_86 = arith.cmpi ne, %convert_element_type3A, %cond3A : i32
      scf.if %cond3A_86 {
        %add3A_90 = arith.constant 2 : i32
        %add3A_91 = arith.addi %mul3A_46, %add3A_90 : i32
        %dma_start3A_92 = arith.constant 0 : i32
        %dma_start3A_93 = arith.constant 0 : i32
        %dma_start3A_94 = arith.constant 0 : i32
        %dma_start3A_95 = tpu.memref_slice %arg9[%dma_start3A_92, %dma_start3A_93, %dma_start3A_94] : memref<2x128x128xf32, #tpu.memory_space<vmem>> -> memref<1x128x128xf32, #tpu.memory_space<vmem>>
        %dma_start3A_96 = tpu.memref_squeeze %dma_start3A_95 : memref<1x128x128xf32, #tpu.memory_space<vmem>> -> memref<128x128xf32, #tpu.memory_space<vmem>>
        %dma_start3A_97 = arith.constant 0 : i32
        %dma_start3A_98 = tpu.memref_slice %arg7[%add3A_91, %dma_start3A_97] : memref<40x128xi32, #tpu.memory_space<vmem>> -> memref<1x128xi32, #tpu.memory_space<vmem>>
        %dma_start3A_99 = tpu.memref_squeeze %dma_start3A_98 : memref<1x128xi32, #tpu.memory_space<vmem>> -> memref<128xi32, #tpu.memory_space<vmem>>
        %dma_start3A_100 = arith.constant 0 : i32
        %dma_start3A_101 = arith.constant 0 : i32
        %dma_start3A_102 = tpu.memref_slice %arg2[%dma_start3A_100, %dma_start3A_101] : memref<10000x128xf32, #tpu.memory_space<hbm>> -> memref<10000x128xf32, #tpu.memory_space<hbm>>
        tpu.enqueue_indirect_dma source(%dma_start3A_102 : memref<10000x128xf32, #tpu.memory_space<hbm>>) target(%dma_start3A_96 : memref<128x128xf32, #tpu.memory_space<vmem>>) offsets(%dma_start3A_99 : memref<128xi32, #tpu.memory_space<vmem>>) semaphore(%arg10 : memref<!tpu.dma_semaphore, #tpu.memory_space<semaphore_mem>>)
      } else {
      }
      %add3A_87 = arith.constant 1 : i32
      %add3A_88 = arith.addi %mul3A_46, %add3A_87 : i32
      %run_scoped3A_89 = arith.constant 1 : i32
      "tpu.region"() ({
        %run_scoped3A_90 = tpu.sem_alloc : memref<!tpu.dma_semaphore, #tpu.memory_space<semaphore_mem>>
        %dma_start3A_91 = arith.constant 0 : i32
        %dma_start3A_92 = arith.constant 0 : i32
        %dma_start3A_93 = tpu.memref_slice %arg9[%run_scoped3A_89, %dma_start3A_91, %dma_start3A_92] : memref<2x128x128xf32, #tpu.memory_space<vmem>> -> memref<1x128x128xf32, #tpu.memory_space<vmem>>
        %dma_start3A_94 = tpu.memref_squeeze %dma_start3A_93 : memref<1x128x128xf32, #tpu.memory_space<vmem>> -> memref<128x128xf32, #tpu.memory_space<vmem>>
        %dma_start3A_95 = arith.constant 0 : i32
        %dma_start3A_96 = tpu.memref_slice %arg8[%add3A_88, %dma_start3A_95] : memref<40x128xi32, #tpu.memory_space<vmem>> -> memref<1x128xi32, #tpu.memory_space<vmem>>
        %dma_start3A_97 = tpu.memref_squeeze %dma_start3A_96 : memref<1x128xi32, #tpu.memory_space<vmem>> -> memref<128xi32, #tpu.memory_space<vmem>>
        %dma_start3A_98 = arith.constant 0 : i32
        %dma_start3A_99 = arith.constant 0 : i32
        %dma_start3A_100 = tpu.memref_slice %arg13[%dma_start3A_98, %dma_start3A_99] : memref<10240x128xf32, #tpu.memory_space<vmem_shared>> -> memref<10240x128xf32, #tpu.memory_space<vmem_shared>>
        tpu.enqueue_indirect_dma source(%dma_start3A_94 : memref<128x128xf32, #tpu.memory_space<vmem>>) target(%dma_start3A_100 : memref<10240x128xf32, #tpu.memory_space<vmem_shared>>) offsets(%dma_start3A_97 : memref<128xi32, #tpu.memory_space<vmem>>) semaphore(%run_scoped3A_90 : memref<!tpu.dma_semaphore, #tpu.memory_space<semaphore_mem>>) {add = true}
        %dma_wait3A_101 = arith.constant 0 : i32
        %dma_wait3A_102 = arith.constant 0 : i32
        %dma_wait3A_103 = tpu.memref_slice %arg9[%run_scoped3A_89, %dma_wait3A_101, %dma_wait3A_102] : memref<2x128x128xf32, #tpu.memory_space<vmem>> -> memref<1x128x128xf32, #tpu.memory_space<vmem>>
        %dma_wait3A_104 = tpu.memref_squeeze %dma_wait3A_103 : memref<1x128x128xf32, #tpu.memory_space<vmem>> -> memref<128x128xf32, #tpu.memory_space<vmem>>
        %dma_wait3A_105 = arith.constant 0 : i32
        %dma_wait3A_106 = tpu.memref_slice %arg8[%add3A_88, %dma_wait3A_105] : memref<40x128xi32, #tpu.memory_space<vmem>> -> memref<1x128xi32, #tpu.memory_space<vmem>>
        %dma_wait3A_107 = tpu.memref_squeeze %dma_wait3A_106 : memref<1x128xi32, #tpu.memory_space<vmem>> -> memref<128xi32, #tpu.memory_space<vmem>>
        %dma_wait3A_108 = arith.constant 0 : i32
        %dma_wait3A_109 = arith.constant 0 : i32
        %dma_wait3A_110 = tpu.memref_slice %arg13[%dma_wait3A_108, %dma_wait3A_109] : memref<10240x128xf32, #tpu.memory_space<vmem_shared>> -> memref<10240x128xf32, #tpu.memory_space<vmem_shared>>
        tpu.wait_indirect_dma semaphore(%run_scoped3A_90 : memref<!tpu.dma_semaphore, #tpu.memory_space<semaphore_mem>>) src(%dma_wait3A_104 : memref<128x128xf32, #tpu.memory_space<vmem>>) dst(%dma_wait3A_110 : memref<10240x128xf32, #tpu.memory_space<vmem_shared>>)
        tpu.yield
      }) : () -> ()
    }
    %scan3A_20 = arith.constant 20 : i32
    "tpu.region"() ({
      %run_scoped3A = tpu.sem_alloc : memref<!tpu.dma_semaphore, #tpu.memory_space<semaphore_mem>>
      %dma_start3A_44 = arith.constant 40 : i32
      %dma_start3A_45 = arith.constant 0 : i32
      %dma_start3A_46 = tpu.memref_slice %arg3[%arg0, %arg1, %dma_start3A_44, %dma_start3A_45] : memref<2x16x80x128xi32, #tpu.memory_space<hbm>> -> memref<1x1x40x128xi32, #tpu.memory_space<hbm>>
      %dma_start3A_47 = tpu.memref_squeeze %dma_start3A_46 : memref<1x1x40x128xi32, #tpu.memory_space<hbm>> -> memref<40x128xi32, #tpu.memory_space<hbm>>
      %dma_start3A_48 = arith.constant 40 : i32
      %dma_start3A_49 = arith.constant 0 : i32
      %dma_start3A_50 = tpu.memref_slice %arg3[%arg0, %arg1, %dma_start3A_48, %dma_start3A_49] : memref<2x16x80x128xi32, #tpu.memory_space<hbm>> -> memref<1x1x40x128xi32, #tpu.memory_space<hbm>>
      %dma_start3A_51 = tpu.memref_squeeze %dma_start3A_50 : memref<1x1x40x128xi32, #tpu.memory_space<hbm>> -> memref<40x128xi32, #tpu.memory_space<hbm>>
      tpu.enqueue_dma source(%dma_start3A_51 : memref<40x128xi32, #tpu.memory_space<hbm>>) target(%arg7 : memref<40x128xi32, #tpu.memory_space<vmem>>) target_semaphore(%run_scoped3A : memref<!tpu.dma_semaphore, #tpu.memory_space<semaphore_mem>>)
      %dma_wait3A_52 = arith.constant 40 : i32
      %dma_wait3A_53 = arith.constant 0 : i32
      %dma_wait3A_54 = tpu.memref_slice %arg3[%arg0, %arg1, %dma_wait3A_52, %dma_wait3A_53] : memref<2x16x80x128xi32, #tpu.memory_space<hbm>> -> memref<1x1x40x128xi32, #tpu.memory_space<hbm>>
      %dma_wait3A_55 = tpu.memref_squeeze %dma_wait3A_54 : memref<1x1x40x128xi32, #tpu.memory_space<hbm>> -> memref<40x128xi32, #tpu.memory_space<hbm>>
      %dma_wait3A_56 = arith.constant 40 : i32
      %dma_wait3A_57 = arith.constant 0 : i32
      %dma_wait3A_58 = tpu.memref_slice %arg3[%arg0, %arg1, %dma_wait3A_56, %dma_wait3A_57] : memref<2x16x80x128xi32, #tpu.memory_space<hbm>> -> memref<1x1x40x128xi32, #tpu.memory_space<hbm>>
      %dma_wait3A_59 = tpu.memref_squeeze %dma_wait3A_58 : memref<1x1x40x128xi32, #tpu.memory_space<hbm>> -> memref<40x128xi32, #tpu.memory_space<hbm>>
      tpu.wait_dma2 semaphore(%run_scoped3A : memref<!tpu.dma_semaphore, #tpu.memory_space<semaphore_mem>>) src(%dma_wait3A_59 : memref<40x128xi32, #tpu.memory_space<hbm>>) dst(%arg7 : memref<40x128xi32, #tpu.memory_space<vmem>>)
      tpu.yield
    }) : () -> ()
    "tpu.region"() ({
      %run_scoped3A = tpu.sem_alloc : memref<!tpu.dma_semaphore, #tpu.memory_space<semaphore_mem>>
      %dma_start3A_44 = arith.constant 40 : i32
      %dma_start3A_45 = arith.constant 0 : i32
      %dma_start3A_46 = tpu.memref_slice %arg4[%arg0, %arg1, %dma_start3A_44, %dma_start3A_45] : memref<2x16x80x128xi32, #tpu.memory_space<hbm>> -> memref<1x1x40x128xi32, #tpu.memory_space<hbm>>
      %dma_start3A_47 = tpu.memref_squeeze %dma_start3A_46 : memref<1x1x40x128xi32, #tpu.memory_space<hbm>> -> memref<40x128xi32, #tpu.memory_space<hbm>>
      %dma_start3A_48 = arith.constant 40 : i32
      %dma_start3A_49 = arith.constant 0 : i32
      %dma_start3A_50 = tpu.memref_slice %arg4[%arg0, %arg1, %dma_start3A_48, %dma_start3A_49] : memref<2x16x80x128xi32, #tpu.memory_space<hbm>> -> memref<1x1x40x128xi32, #tpu.memory_space<hbm>>
      %dma_start3A_51 = tpu.memref_squeeze %dma_start3A_50 : memref<1x1x40x128xi32, #tpu.memory_space<hbm>> -> memref<40x128xi32, #tpu.memory_space<hbm>>
      tpu.enqueue_dma source(%dma_start3A_51 : memref<40x128xi32, #tpu.memory_space<hbm>>) target(%arg8 : memref<40x128xi32, #tpu.memory_space<vmem>>) target_semaphore(%run_scoped3A : memref<!tpu.dma_semaphore, #tpu.memory_space<semaphore_mem>>)
      %dma_wait3A_52 = arith.constant 40 : i32
      %dma_wait3A_53 = arith.constant 0 : i32
      %dma_wait3A_54 = tpu.memref_slice %arg4[%arg0, %arg1, %dma_wait3A_52, %dma_wait3A_53] : memref<2x16x80x128xi32, #tpu.memory_space<hbm>> -> memref<1x1x40x128xi32, #tpu.memory_space<hbm>>
      %dma_wait3A_55 = tpu.memref_squeeze %dma_wait3A_54 : memref<1x1x40x128xi32, #tpu.memory_space<hbm>> -> memref<40x128xi32, #tpu.memory_space<hbm>>
      %dma_wait3A_56 = arith.constant 40 : i32
      %dma_wait3A_57 = arith.constant 0 : i32
      %dma_wait3A_58 = tpu.memref_slice %arg4[%arg0, %arg1, %dma_wait3A_56, %dma_wait3A_57] : memref<2x16x80x128xi32, #tpu.memory_space<hbm>> -> memref<1x1x40x128xi32, #tpu.memory_space<hbm>>
      %dma_wait3A_59 = tpu.memref_squeeze %dma_wait3A_58 : memref<1x1x40x128xi32, #tpu.memory_space<hbm>> -> memref<40x128xi32, #tpu.memory_space<hbm>>
      tpu.wait_dma2 semaphore(%run_scoped3A : memref<!tpu.dma_semaphore, #tpu.memory_space<semaphore_mem>>) src(%dma_wait3A_59 : memref<40x128xi32, #tpu.memory_space<hbm>>) dst(%arg8 : memref<40x128xi32, #tpu.memory_space<vmem>>)
      tpu.yield
    }) : () -> ()
    %dma_start3A_21 = arith.constant 0 : i32
    %dma_start3A_22 = arith.constant 0 : i32
    %dma_start3A_23 = arith.constant 0 : i32
    %dma_start3A_24 = arith.constant 0 : i32
    %dma_start3A_25 = tpu.memref_slice %arg9[%dma_start3A_22, %dma_start3A_23, %dma_start3A_24] : memref<2x128x128xf32, #tpu.memory_space<vmem>> -> memref<1x128x128xf32, #tpu.memory_space<vmem>>
    %dma_start3A_26 = tpu.memref_squeeze %dma_start3A_25 : memref<1x128x128xf32, #tpu.memory_space<vmem>> -> memref<128x128xf32, #tpu.memory_space<vmem>>
    %dma_start3A_27 = arith.constant 0 : i32
    %dma_start3A_28 = tpu.memref_slice %arg7[%dma_start3A_21, %dma_start3A_27] : memref<40x128xi32, #tpu.memory_space<vmem>> -> memref<1x128xi32, #tpu.memory_space<vmem>>
    %dma_start3A_29 = tpu.memref_squeeze %dma_start3A_28 : memref<1x128xi32, #tpu.memory_space<vmem>> -> memref<128xi32, #tpu.memory_space<vmem>>
    %dma_start3A_30 = arith.constant 0 : i32
    %dma_start3A_31 = arith.constant 0 : i32
    %dma_start3A_32 = tpu.memref_slice %arg2[%dma_start3A_30, %dma_start3A_31] : memref<10000x128xf32, #tpu.memory_space<hbm>> -> memref<10000x128xf32, #tpu.memory_space<hbm>>
    tpu.enqueue_indirect_dma source(%dma_start3A_32 : memref<10000x128xf32, #tpu.memory_space<hbm>>) target(%dma_start3A_26 : memref<128x128xf32, #tpu.memory_space<vmem>>) offsets(%dma_start3A_29 : memref<128xi32, #tpu.memory_space<vmem>>) semaphore(%arg10 : memref<!tpu.dma_semaphore, #tpu.memory_space<semaphore_mem>>)
    %scan3A_33 = arith.constant 0 : i32
    %scan3A_34 = arith.constant 0 : i32
    %scan3A_35 = arith.constant 20 : i32
    %scan3A_36 = arith.addi %scan3A_34, %scan3A_35 : i32
    %scan3A_37 = arith.constant 1 : i32
    scf.for %scan3A_44 = %scan3A_34 to %scan3A_36 step %scan3A_37  : i32 {
      %mul3A_45 = arith.constant 2 : i32
      %mul3A_46 = arith.muli %mul3A_45, %scan3A_44 : i32
      %dma_wait3A_47 = arith.constant 0 : i32
      %dma_wait3A_48 = arith.constant 0 : i32
      %dma_wait3A_49 = arith.constant 0 : i32
      %dma_wait3A_50 = arith.constant 0 : i32
      %dma_wait3A_51 = tpu.memref_slice %arg9[%dma_wait3A_48, %dma_wait3A_49, %dma_wait3A_50] : memref<2x128x128xf32, #tpu.memory_space<vmem>> -> memref<1x128x128xf32, #tpu.memory_space<vmem>>
      %dma_wait3A_52 = tpu.memref_squeeze %dma_wait3A_51 : memref<1x128x128xf32, #tpu.memory_space<vmem>> -> memref<128x128xf32, #tpu.memory_space<vmem>>
      %dma_wait3A_53 = arith.constant 0 : i32
      %dma_wait3A_54 = tpu.memref_slice %arg7[%dma_wait3A_47, %dma_wait3A_53] : memref<40x128xi32, #tpu.memory_space<vmem>> -> memref<1x128xi32, #tpu.memory_space<vmem>>
      %dma_wait3A_55 = tpu.memref_squeeze %dma_wait3A_54 : memref<1x128xi32, #tpu.memory_space<vmem>> -> memref<128xi32, #tpu.memory_space<vmem>>
      %dma_wait3A_56 = arith.constant 0 : i32
      %dma_wait3A_57 = arith.constant 0 : i32
      %dma_wait3A_58 = tpu.memref_slice %arg2[%dma_wait3A_56, %dma_wait3A_57] : memref<10000x128xf32, #tpu.memory_space<hbm>> -> memref<10000x128xf32, #tpu.memory_space<hbm>>
      tpu.wait_indirect_dma semaphore(%arg10 : memref<!tpu.dma_semaphore, #tpu.memory_space<semaphore_mem>>) src(%dma_wait3A_58 : memref<10000x128xf32, #tpu.memory_space<hbm>>) dst(%dma_wait3A_52 : memref<128x128xf32, #tpu.memory_space<vmem>>)
      %add3A = arith.constant 1 : i32
      %add3A_59 = arith.addi %mul3A_46, %add3A : i32
      %dma_start3A_60 = arith.constant 1 : i32
      %dma_start3A_61 = arith.constant 0 : i32
      %dma_start3A_62 = arith.constant 0 : i32
      %dma_start3A_63 = tpu.memref_slice %arg9[%dma_start3A_60, %dma_start3A_61, %dma_start3A_62] : memref<2x128x128xf32, #tpu.memory_space<vmem>> -> memref<1x128x128xf32, #tpu.memory_space<vmem>>
      %dma_start3A_64 = tpu.memref_squeeze %dma_start3A_63 : memref<1x128x128xf32, #tpu.memory_space<vmem>> -> memref<128x128xf32, #tpu.memory_space<vmem>>
      %dma_start3A_65 = arith.constant 0 : i32
      %dma_start3A_66 = tpu.memref_slice %arg7[%add3A_59, %dma_start3A_65] : memref<40x128xi32, #tpu.memory_space<vmem>> -> memref<1x128xi32, #tpu.memory_space<vmem>>
      %dma_start3A_67 = tpu.memref_squeeze %dma_start3A_66 : memref<1x128xi32, #tpu.memory_space<vmem>> -> memref<128xi32, #tpu.memory_space<vmem>>
      %dma_start3A_68 = arith.constant 0 : i32
      %dma_start3A_69 = arith.constant 0 : i32
      %dma_start3A_70 = tpu.memref_slice %arg2[%dma_start3A_68, %dma_start3A_69] : memref<10000x128xf32, #tpu.memory_space<hbm>> -> memref<10000x128xf32, #tpu.memory_space<hbm>>
      tpu.enqueue_indirect_dma source(%dma_start3A_70 : memref<10000x128xf32, #tpu.memory_space<hbm>>) target(%dma_start3A_64 : memref<128x128xf32, #tpu.memory_space<vmem>>) offsets(%dma_start3A_67 : memref<128xi32, #tpu.memory_space<vmem>>) semaphore(%arg11 : memref<!tpu.dma_semaphore, #tpu.memory_space<semaphore_mem>>)
      %run_scoped3A = arith.constant 0 : i32
      "tpu.region"() ({
        %run_scoped3A_90 = tpu.sem_alloc : memref<!tpu.dma_semaphore, #tpu.memory_space<semaphore_mem>>
        %dma_start3A_91 = arith.constant 0 : i32
        %dma_start3A_92 = arith.constant 0 : i32
        %dma_start3A_93 = tpu.memref_slice %arg9[%run_scoped3A, %dma_start3A_91, %dma_start3A_92] : memref<2x128x128xf32, #tpu.memory_space<vmem>> -> memref<1x128x128xf32, #tpu.memory_space<vmem>>
        %dma_start3A_94 = tpu.memref_squeeze %dma_start3A_93 : memref<1x128x128xf32, #tpu.memory_space<vmem>> -> memref<128x128xf32, #tpu.memory_space<vmem>>
        %dma_start3A_95 = arith.constant 0 : i32
        %dma_start3A_96 = tpu.memref_slice %arg8[%mul3A_46, %dma_start3A_95] : memref<40x128xi32, #tpu.memory_space<vmem>> -> memref<1x128xi32, #tpu.memory_space<vmem>>
        %dma_start3A_97 = tpu.memref_squeeze %dma_start3A_96 : memref<1x128xi32, #tpu.memory_space<vmem>> -> memref<128xi32, #tpu.memory_space<vmem>>
        %dma_start3A_98 = arith.constant 0 : i32
        %dma_start3A_99 = arith.constant 0 : i32
        %dma_start3A_100 = tpu.memref_slice %arg13[%dma_start3A_98, %dma_start3A_99] : memref<10240x128xf32, #tpu.memory_space<vmem_shared>> -> memref<10240x128xf32, #tpu.memory_space<vmem_shared>>
        tpu.enqueue_indirect_dma source(%dma_start3A_94 : memref<128x128xf32, #tpu.memory_space<vmem>>) target(%dma_start3A_100 : memref<10240x128xf32, #tpu.memory_space<vmem_shared>>) offsets(%dma_start3A_97 : memref<128xi32, #tpu.memory_space<vmem>>) semaphore(%run_scoped3A_90 : memref<!tpu.dma_semaphore, #tpu.memory_space<semaphore_mem>>) {add = true}
        %dma_wait3A_101 = arith.constant 0 : i32
        %dma_wait3A_102 = arith.constant 0 : i32
        %dma_wait3A_103 = tpu.memref_slice %arg9[%run_scoped3A, %dma_wait3A_101, %dma_wait3A_102] : memref<2x128x128xf32, #tpu.memory_space<vmem>> -> memref<1x128x128xf32, #tpu.memory_space<vmem>>
        %dma_wait3A_104 = tpu.memref_squeeze %dma_wait3A_103 : memref<1x128x128xf32, #tpu.memory_space<vmem>> -> memref<128x128xf32, #tpu.memory_space<vmem>>
        %dma_wait3A_105 = arith.constant 0 : i32
        %dma_wait3A_106 = tpu.memref_slice %arg8[%mul3A_46, %dma_wait3A_105] : memref<40x128xi32, #tpu.memory_space<vmem>> -> memref<1x128xi32, #tpu.memory_space<vmem>>
        %dma_wait3A_107 = tpu.memref_squeeze %dma_wait3A_106 : memref<1x128xi32, #tpu.memory_space<vmem>> -> memref<128xi32, #tpu.memory_space<vmem>>
        %dma_wait3A_108 = arith.constant 0 : i32
        %dma_wait3A_109 = arith.constant 0 : i32
        %dma_wait3A_110 = tpu.memref_slice %arg13[%dma_wait3A_108, %dma_wait3A_109] : memref<10240x128xf32, #tpu.memory_space<vmem_shared>> -> memref<10240x128xf32, #tpu.memory_space<vmem_shared>>
        tpu.wait_indirect_dma semaphore(%run_scoped3A_90 : memref<!tpu.dma_semaphore, #tpu.memory_space<semaphore_mem>>) src(%dma_wait3A_104 : memref<128x128xf32, #tpu.memory_space<vmem>>) dst(%dma_wait3A_110 : memref<10240x128xf32, #tpu.memory_space<vmem_shared>>)
        tpu.yield
      }) : () -> ()
      %dma_wait3A_71 = arith.constant 1 : i32
      %dma_wait3A_72 = arith.constant 1 : i32
      %dma_wait3A_73 = arith.constant 0 : i32
      %dma_wait3A_74 = arith.constant 0 : i32
      %dma_wait3A_75 = tpu.memref_slice %arg9[%dma_wait3A_72, %dma_wait3A_73, %dma_wait3A_74] : memref<2x128x128xf32, #tpu.memory_space<vmem>> -> memref<1x128x128xf32, #tpu.memory_space<vmem>>
      %dma_wait3A_76 = tpu.memref_squeeze %dma_wait3A_75 : memref<1x128x128xf32, #tpu.memory_space<vmem>> -> memref<128x128xf32, #tpu.memory_space<vmem>>
      %dma_wait3A_77 = arith.constant 0 : i32
      %dma_wait3A_78 = tpu.memref_slice %arg7[%dma_wait3A_71, %dma_wait3A_77] : memref<40x128xi32, #tpu.memory_space<vmem>> -> memref<1x128xi32, #tpu.memory_space<vmem>>
      %dma_wait3A_79 = tpu.memref_squeeze %dma_wait3A_78 : memref<1x128xi32, #tpu.memory_space<vmem>> -> memref<128xi32, #tpu.memory_space<vmem>>
      %dma_wait3A_80 = arith.constant 0 : i32
      %dma_wait3A_81 = arith.constant 0 : i32
      %dma_wait3A_82 = tpu.memref_slice %arg2[%dma_wait3A_80, %dma_wait3A_81] : memref<10000x128xf32, #tpu.memory_space<hbm>> -> memref<10000x128xf32, #tpu.memory_space<hbm>>
      tpu.wait_indirect_dma semaphore(%arg11 : memref<!tpu.dma_semaphore, #tpu.memory_space<semaphore_mem>>) src(%dma_wait3A_82 : memref<10000x128xf32, #tpu.memory_space<hbm>>) dst(%dma_wait3A_76 : memref<128x128xf32, #tpu.memory_space<vmem>>)
      %add3A_83 = arith.constant 2 : i32
      %add3A_84 = arith.addi %mul3A_46, %add3A_83 : i32
      %lt3A = arith.constant 40 : i32
      %lt3A_85 = arith.cmpi slt, %add3A_84, %lt3A : i32
      %convert_element_type3A = arith.extui %lt3A_85 : i1 to i32
      %cond3A = arith.constant 0 : i32
      %cond3A_86 = arith.cmpi ne, %convert_element_type3A, %cond3A : i32
      scf.if %cond3A_86 {
        %add3A_90 = arith.constant 2 : i32
        %add3A_91 = arith.addi %mul3A_46, %add3A_90 : i32
        %dma_start3A_92 = arith.constant 0 : i32
        %dma_start3A_93 = arith.constant 0 : i32
        %dma_start3A_94 = arith.constant 0 : i32
        %dma_start3A_95 = tpu.memref_slice %arg9[%dma_start3A_92, %dma_start3A_93, %dma_start3A_94] : memref<2x128x128xf32, #tpu.memory_space<vmem>> -> memref<1x128x128xf32, #tpu.memory_space<vmem>>
        %dma_start3A_96 = tpu.memref_squeeze %dma_start3A_95 : memref<1x128x128xf32, #tpu.memory_space<vmem>> -> memref<128x128xf32, #tpu.memory_space<vmem>>
        %dma_start3A_97 = arith.constant 0 : i32
        %dma_start3A_98 = tpu.memref_slice %arg7[%add3A_91, %dma_start3A_97] : memref<40x128xi32, #tpu.memory_space<vmem>> -> memref<1x128xi32, #tpu.memory_space<vmem>>
        %dma_start3A_99 = tpu.memref_squeeze %dma_start3A_98 : memref<1x128xi32, #tpu.memory_space<vmem>> -> memref<128xi32, #tpu.memory_space<vmem>>
        %dma_start3A_100 = arith.constant 0 : i32
        %dma_start3A_101 = arith.constant 0 : i32
        %dma_start3A_102 = tpu.memref_slice %arg2[%dma_start3A_100, %dma_start3A_101] : memref<10000x128xf32, #tpu.memory_space<hbm>> -> memref<10000x128xf32, #tpu.memory_space<hbm>>
        tpu.enqueue_indirect_dma source(%dma_start3A_102 : memref<10000x128xf32, #tpu.memory_space<hbm>>) target(%dma_start3A_96 : memref<128x128xf32, #tpu.memory_space<vmem>>) offsets(%dma_start3A_99 : memref<128xi32, #tpu.memory_space<vmem>>) semaphore(%arg10 : memref<!tpu.dma_semaphore, #tpu.memory_space<semaphore_mem>>)
      } else {
      }
      %add3A_87 = arith.constant 1 : i32
      %add3A_88 = arith.addi %mul3A_46, %add3A_87 : i32
      %run_scoped3A_89 = arith.constant 1 : i32
      "tpu.region"() ({
        %run_scoped3A_90 = tpu.sem_alloc : memref<!tpu.dma_semaphore, #tpu.memory_space<semaphore_mem>>
        %dma_start3A_91 = arith.constant 0 : i32
        %dma_start3A_92 = arith.constant 0 : i32
        %dma_start3A_93 = tpu.memref_slice %arg9[%run_scoped3A_89, %dma_start3A_91, %dma_start3A_92] : memref<2x128x128xf32, #tpu.memory_space<vmem>> -> memref<1x128x128xf32, #tpu.memory_space<vmem>>
        %dma_start3A_94 = tpu.memref_squeeze %dma_start3A_93 : memref<1x128x128xf32, #tpu.memory_space<vmem>> -> memref<128x128xf32, #tpu.memory_space<vmem>>
        %dma_start3A_95 = arith.constant 0 : i32
        %dma_start3A_96 = tpu.memref_slice %arg8[%add3A_88, %dma_start3A_95] : memref<40x128xi32, #tpu.memory_space<vmem>> -> memref<1x128xi32, #tpu.memory_space<vmem>>
        %dma_start3A_97 = tpu.memref_squeeze %dma_start3A_96 : memref<1x128xi32, #tpu.memory_space<vmem>> -> memref<128xi32, #tpu.memory_space<vmem>>
        %dma_start3A_98 = arith.constant 0 : i32
        %dma_start3A_99 = arith.constant 0 : i32
        %dma_start3A_100 = tpu.memref_slice %arg13[%dma_start3A_98, %dma_start3A_99] : memref<10240x128xf32, #tpu.memory_space<vmem_shared>> -> memref<10240x128xf32, #tpu.memory_space<vmem_shared>>
        tpu.enqueue_indirect_dma source(%dma_start3A_94 : memref<128x128xf32, #tpu.memory_space<vmem>>) target(%dma_start3A_100 : memref<10240x128xf32, #tpu.memory_space<vmem_shared>>) offsets(%dma_start3A_97 : memref<128xi32, #tpu.memory_space<vmem>>) semaphore(%run_scoped3A_90 : memref<!tpu.dma_semaphore, #tpu.memory_space<semaphore_mem>>) {add = true}
        %dma_wait3A_101 = arith.constant 0 : i32
        %dma_wait3A_102 = arith.constant 0 : i32
        %dma_wait3A_103 = tpu.memref_slice %arg9[%run_scoped3A_89, %dma_wait3A_101, %dma_wait3A_102] : memref<2x128x128xf32, #tpu.memory_space<vmem>> -> memref<1x128x128xf32, #tpu.memory_space<vmem>>
        %dma_wait3A_104 = tpu.memref_squeeze %dma_wait3A_103 : memref<1x128x128xf32, #tpu.memory_space<vmem>> -> memref<128x128xf32, #tpu.memory_space<vmem>>
        %dma_wait3A_105 = arith.constant 0 : i32
        %dma_wait3A_106 = tpu.memref_slice %arg8[%add3A_88, %dma_wait3A_105] : memref<40x128xi32, #tpu.memory_space<vmem>> -> memref<1x128xi32, #tpu.memory_space<vmem>>
        %dma_wait3A_107 = tpu.memref_squeeze %dma_wait3A_106 : memref<1x128xi32, #tpu.memory_space<vmem>> -> memref<128xi32, #tpu.memory_space<vmem>>
        %dma_wait3A_108 = arith.constant 0 : i32
        %dma_wait3A_109 = arith.constant 0 : i32
        %dma_wait3A_110 = tpu.memref_slice %arg13[%dma_wait3A_108, %dma_wait3A_109] : memref<10240x128xf32, #tpu.memory_space<vmem_shared>> -> memref<10240x128xf32, #tpu.memory_space<vmem_shared>>
        tpu.wait_indirect_dma semaphore(%run_scoped3A_90 : memref<!tpu.dma_semaphore, #tpu.memory_space<semaphore_mem>>) src(%dma_wait3A_104 : memref<128x128xf32, #tpu.memory_space<vmem>>) dst(%dma_wait3A_110 : memref<10240x128xf32, #tpu.memory_space<vmem_shared>>)
        tpu.yield
      }) : () -> ()
    }
    %scan3A_38 = arith.constant 20 : i32
    %barrier3A_39 = arith.constant 0 : index
    tpu.barrier barrier_id(%barrier3A_39)
    %mul3A_40 = arith.constant 640 : i32
    %mul3A_41 = arith.muli %arg1, %mul3A_40 : i32
    %mul3A_42 = arith.constant 640 : i32
    %mul3A_43 = arith.muli %arg1, %mul3A_42 : i32
    "tpu.region"() ({
      %run_scoped3A = tpu.sem_alloc : memref<!tpu.dma_semaphore, #tpu.memory_space<semaphore_mem>>
      %dma_start3A_44 = arith.constant 0 : i32
      %dma_start3A_45 = tpu.memref_slice %arg6[%arg0, %mul3A_43, %dma_start3A_44] : memref<2x10240x128xf32, #tpu.memory_space<hbm>> -> memref<1x640x128xf32, #tpu.memory_space<hbm>>
      %dma_start3A_46 = tpu.memref_squeeze %dma_start3A_45 : memref<1x640x128xf32, #tpu.memory_space<hbm>> -> memref<640x128xf32, #tpu.memory_space<hbm>>
      %dma_start3A_47 = arith.constant 0 : i32
      %dma_start3A_48 = tpu.memref_slice %arg13[%mul3A_41, %dma_start3A_47] : memref<10240x128xf32, #tpu.memory_space<vmem_shared>> -> memref<640x128xf32, #tpu.memory_space<vmem_shared>>
      tpu.enqueue_dma source(%dma_start3A_48 : memref<640x128xf32, #tpu.memory_space<vmem_shared>>) target(%dma_start3A_46 : memref<640x128xf32, #tpu.memory_space<hbm>>) target_semaphore(%run_scoped3A : memref<!tpu.dma_semaphore, #tpu.memory_space<semaphore_mem>>)
      %dma_wait3A_49 = arith.constant 0 : i32
      %dma_wait3A_50 = tpu.memref_slice %arg6[%arg0, %mul3A_43, %dma_wait3A_49] : memref<2x10240x128xf32, #tpu.memory_space<hbm>> -> memref<1x640x128xf32, #tpu.memory_space<hbm>>
      %dma_wait3A_51 = tpu.memref_squeeze %dma_wait3A_50 : memref<1x640x128xf32, #tpu.memory_space<hbm>> -> memref<640x128xf32, #tpu.memory_space<hbm>>
      %dma_wait3A_52 = arith.constant 0 : i32
      %dma_wait3A_53 = tpu.memref_slice %arg13[%mul3A_41, %dma_wait3A_52] : memref<10240x128xf32, #tpu.memory_space<vmem_shared>> -> memref<640x128xf32, #tpu.memory_space<vmem_shared>>
      tpu.wait_dma2 semaphore(%run_scoped3A : memref<!tpu.dma_semaphore, #tpu.memory_space<semaphore_mem>>) src(%dma_wait3A_53 : memref<640x128xf32, #tpu.memory_space<vmem_shared>>) dst(%dma_wait3A_51 : memref<640x128xf32, #tpu.memory_space<hbm>>)
      tpu.yield
    }) : () -> ()
    return
  }
}

#map = affine_map<(d0, d1) -> (0, 0, 0, 0)>
#map1 = affine_map<(d0, d1) -> (0)>
#map2 = affine_map<(d0, d1) -> (0, 0)>
module attributes {stable_mosaic.version = 14 : i64} {
  func.func @_deg_kernel(%arg0: i32, %arg1: i32, %arg2: memref<2x16x80x128xi32, #tpu.memory_space<hbm>>, %arg3: memref<640xf32, #tpu.memory_space<hbm>>, %arg4: memref<128xf32, #tpu.memory_space<hbm>>, %arg5: memref<2x10240xf32, #tpu.memory_space<hbm>>, %arg6: memref<80x128xi32, #tpu.memory_space<vmem>>, %arg7: memref<128xf32, #tpu.memory_space<vmem>>, %arg8: memref<10240xf32, #tpu.memory_space<vmem_shared>>) attributes {dimension_semantics = [#tpu.dimension_semantics<core_parallel>, #tpu.dimension_semantics<subcore_parallel>], iteration_bounds = array<i64: 2, 16>, scalar_prefetch = 0 : i64, scratch_operands = 3 : i64, tpu.core_type = #tpu.core_type<sc_vector_subcore>, window_params = [{transform_indices = #map}, {transform_indices = #map1}, {transform_indices = #map1}, {transform_indices = #map2}]} {
    %mul3A = arith.constant 640 : i32
    %mul3A_0 = arith.muli %arg1, %mul3A : i32
    "tpu.region"() ({
      %run_scoped3A = tpu.sem_alloc : memref<!tpu.dma_semaphore, #tpu.memory_space<semaphore_mem>>
      %dma_start3A = tpu.memref_slice %arg8[%mul3A_0] : memref<10240xf32, #tpu.memory_space<vmem_shared>> -> memref<640xf32, #tpu.memory_space<vmem_shared>>
      tpu.enqueue_dma source(%arg3 : memref<640xf32, #tpu.memory_space<hbm>>) target(%dma_start3A : memref<640xf32, #tpu.memory_space<vmem_shared>>) target_semaphore(%run_scoped3A : memref<!tpu.dma_semaphore, #tpu.memory_space<semaphore_mem>>)
      %dma_wait3A = tpu.memref_slice %arg8[%mul3A_0] : memref<10240xf32, #tpu.memory_space<vmem_shared>> -> memref<640xf32, #tpu.memory_space<vmem_shared>>
      tpu.wait_dma2 semaphore(%run_scoped3A : memref<!tpu.dma_semaphore, #tpu.memory_space<semaphore_mem>>) src(%arg3 : memref<640xf32, #tpu.memory_space<hbm>>) dst(%dma_wait3A : memref<640xf32, #tpu.memory_space<vmem_shared>>)
      tpu.yield
    }) : () -> ()
    "tpu.region"() ({
      %run_scoped3A = tpu.sem_alloc : memref<!tpu.dma_semaphore, #tpu.memory_space<semaphore_mem>>
      %dma_start3A = arith.constant 0 : i32
      %dma_start3A_11 = arith.constant 0 : i32
      %dma_start3A_12 = tpu.memref_slice %arg2[%arg0, %arg1, %dma_start3A, %dma_start3A_11] : memref<2x16x80x128xi32, #tpu.memory_space<hbm>> -> memref<1x1x80x128xi32, #tpu.memory_space<hbm>>
      %dma_start3A_13 = tpu.memref_squeeze %dma_start3A_12 : memref<1x1x80x128xi32, #tpu.memory_space<hbm>> -> memref<80x128xi32, #tpu.memory_space<hbm>>
      %dma_start3A_14 = arith.constant 0 : i32
      %dma_start3A_15 = arith.constant 0 : i32
      %dma_start3A_16 = tpu.memref_slice %arg2[%arg0, %arg1, %dma_start3A_14, %dma_start3A_15] : memref<2x16x80x128xi32, #tpu.memory_space<hbm>> -> memref<1x1x80x128xi32, #tpu.memory_space<hbm>>
      %dma_start3A_17 = tpu.memref_squeeze %dma_start3A_16 : memref<1x1x80x128xi32, #tpu.memory_space<hbm>> -> memref<80x128xi32, #tpu.memory_space<hbm>>
      tpu.enqueue_dma source(%dma_start3A_17 : memref<80x128xi32, #tpu.memory_space<hbm>>) target(%arg6 : memref<80x128xi32, #tpu.memory_space<vmem>>) target_semaphore(%run_scoped3A : memref<!tpu.dma_semaphore, #tpu.memory_space<semaphore_mem>>)
      %dma_wait3A = arith.constant 0 : i32
      %dma_wait3A_18 = arith.constant 0 : i32
      %dma_wait3A_19 = tpu.memref_slice %arg2[%arg0, %arg1, %dma_wait3A, %dma_wait3A_18] : memref<2x16x80x128xi32, #tpu.memory_space<hbm>> -> memref<1x1x80x128xi32, #tpu.memory_space<hbm>>
      %dma_wait3A_20 = tpu.memref_squeeze %dma_wait3A_19 : memref<1x1x80x128xi32, #tpu.memory_space<hbm>> -> memref<80x128xi32, #tpu.memory_space<hbm>>
      %dma_wait3A_21 = arith.constant 0 : i32
      %dma_wait3A_22 = arith.constant 0 : i32
      %dma_wait3A_23 = tpu.memref_slice %arg2[%arg0, %arg1, %dma_wait3A_21, %dma_wait3A_22] : memref<2x16x80x128xi32, #tpu.memory_space<hbm>> -> memref<1x1x80x128xi32, #tpu.memory_space<hbm>>
      %dma_wait3A_24 = tpu.memref_squeeze %dma_wait3A_23 : memref<1x1x80x128xi32, #tpu.memory_space<hbm>> -> memref<80x128xi32, #tpu.memory_space<hbm>>
      tpu.wait_dma2 semaphore(%run_scoped3A : memref<!tpu.dma_semaphore, #tpu.memory_space<semaphore_mem>>) src(%dma_wait3A_24 : memref<80x128xi32, #tpu.memory_space<hbm>>) dst(%arg6 : memref<80x128xi32, #tpu.memory_space<vmem>>)
      tpu.yield
    }) : () -> ()
    "tpu.region"() ({
      %run_scoped3A = tpu.sem_alloc : memref<!tpu.dma_semaphore, #tpu.memory_space<semaphore_mem>>
      tpu.enqueue_dma source(%arg4 : memref<128xf32, #tpu.memory_space<hbm>>) target(%arg7 : memref<128xf32, #tpu.memory_space<vmem>>) target_semaphore(%run_scoped3A : memref<!tpu.dma_semaphore, #tpu.memory_space<semaphore_mem>>)
      tpu.wait_dma2 semaphore(%run_scoped3A : memref<!tpu.dma_semaphore, #tpu.memory_space<semaphore_mem>>) src(%arg4 : memref<128xf32, #tpu.memory_space<hbm>>) dst(%arg7 : memref<128xf32, #tpu.memory_space<vmem>>)
      tpu.yield
    }) : () -> ()
    %barrier3A = arith.constant 0 : index
    tpu.barrier barrier_id(%barrier3A)
    %scan3A = arith.constant 0 : i32
    %scan3A_1 = arith.constant 0 : i32
    %scan3A_2 = arith.constant 80 : i32
    %scan3A_3 = arith.addi %scan3A_1, %scan3A_2 : i32
    %scan3A_4 = arith.constant 1 : i32
    scf.for %scan3A_11 = %scan3A_1 to %scan3A_3 step %scan3A_4  : i32 {
      "tpu.region"() ({
        %run_scoped3A = tpu.sem_alloc : memref<!tpu.dma_semaphore, #tpu.memory_space<semaphore_mem>>
        %dma_start3A = arith.constant 0 : i32
        %dma_start3A_12 = tpu.memref_slice %arg6[%scan3A_11, %dma_start3A] : memref<80x128xi32, #tpu.memory_space<vmem>> -> memref<1x128xi32, #tpu.memory_space<vmem>>
        %dma_start3A_13 = tpu.memref_squeeze %dma_start3A_12 : memref<1x128xi32, #tpu.memory_space<vmem>> -> memref<128xi32, #tpu.memory_space<vmem>>
        %dma_start3A_14 = arith.constant 0 : i32
        %dma_start3A_15 = tpu.memref_slice %arg8[%dma_start3A_14] : memref<10240xf32, #tpu.memory_space<vmem_shared>> -> memref<10240xf32, #tpu.memory_space<vmem_shared>>
        tpu.enqueue_indirect_dma source(%arg7 : memref<128xf32, #tpu.memory_space<vmem>>) target(%dma_start3A_15 : memref<10240xf32, #tpu.memory_space<vmem_shared>>) offsets(%dma_start3A_13 : memref<128xi32, #tpu.memory_space<vmem>>) semaphore(%run_scoped3A : memref<!tpu.dma_semaphore, #tpu.memory_space<semaphore_mem>>) {add = true}
        %dma_wait3A = arith.constant 0 : i32
        %dma_wait3A_16 = tpu.memref_slice %arg6[%scan3A_11, %dma_wait3A] : memref<80x128xi32, #tpu.memory_space<vmem>> -> memref<1x128xi32, #tpu.memory_space<vmem>>
        %dma_wait3A_17 = tpu.memref_squeeze %dma_wait3A_16 : memref<1x128xi32, #tpu.memory_space<vmem>> -> memref<128xi32, #tpu.memory_space<vmem>>
        %dma_wait3A_18 = arith.constant 0 : i32
        %dma_wait3A_19 = tpu.memref_slice %arg8[%dma_wait3A_18] : memref<10240xf32, #tpu.memory_space<vmem_shared>> -> memref<10240xf32, #tpu.memory_space<vmem_shared>>
        tpu.wait_indirect_dma semaphore(%run_scoped3A : memref<!tpu.dma_semaphore, #tpu.memory_space<semaphore_mem>>) src(%arg7 : memref<128xf32, #tpu.memory_space<vmem>>) dst(%dma_wait3A_19 : memref<10240xf32, #tpu.memory_space<vmem_shared>>)
        tpu.yield
      }) : () -> ()
    }
    %scan3A_5 = arith.constant 80 : i32
    %barrier3A_6 = arith.constant 0 : index
    tpu.barrier barrier_id(%barrier3A_6)
    %mul3A_7 = arith.constant 640 : i32
    %mul3A_8 = arith.muli %arg1, %mul3A_7 : i32
    %mul3A_9 = arith.constant 640 : i32
    %mul3A_10 = arith.muli %arg1, %mul3A_9 : i32
    "tpu.region"() ({
      %run_scoped3A = tpu.sem_alloc : memref<!tpu.dma_semaphore, #tpu.memory_space<semaphore_mem>>
      %dma_start3A = tpu.memref_slice %arg5[%arg0, %mul3A_10] : memref<2x10240xf32, #tpu.memory_space<hbm>> -> memref<1x640xf32, #tpu.memory_space<hbm>>
      %dma_start3A_11 = tpu.memref_squeeze %dma_start3A : memref<1x640xf32, #tpu.memory_space<hbm>> -> memref<640xf32, #tpu.memory_space<hbm>>
      %dma_start3A_12 = tpu.memref_slice %arg8[%mul3A_8] : memref<10240xf32, #tpu.memory_space<vmem_shared>> -> memref<640xf32, #tpu.memory_space<vmem_shared>>
      tpu.enqueue_dma source(%dma_start3A_12 : memref<640xf32, #tpu.memory_space<vmem_shared>>) target(%dma_start3A_11 : memref<640xf32, #tpu.memory_space<hbm>>) target_semaphore(%run_scoped3A : memref<!tpu.dma_semaphore, #tpu.memory_space<semaphore_mem>>)
      %dma_wait3A = tpu.memref_slice %arg5[%arg0, %mul3A_10] : memref<2x10240xf32, #tpu.memory_space<hbm>> -> memref<1x640xf32, #tpu.memory_space<hbm>>
      %dma_wait3A_13 = tpu.memref_squeeze %dma_wait3A : memref<1x640xf32, #tpu.memory_space<hbm>> -> memref<640xf32, #tpu.memory_space<hbm>>
      %dma_wait3A_14 = tpu.memref_slice %arg8[%mul3A_8] : memref<10240xf32, #tpu.memory_space<vmem_shared>> -> memref<640xf32, #tpu.memory_space<vmem_shared>>
      tpu.wait_dma2 semaphore(%run_scoped3A : memref<!tpu.dma_semaphore, #tpu.memory_space<semaphore_mem>>) src(%dma_wait3A_14 : memref<640xf32, #tpu.memory_space<vmem_shared>>) dst(%dma_wait3A_13 : memref<640xf32, #tpu.memory_space<hbm>>)
      tpu.yield
    }) : () -> ()
    return
  }
}

module attributes {stable_mosaic.version = 14 : i64} {
  func.func @_mm1_body(%arg0: i32, %arg1: memref<2000x128xf32, #tpu.memory_space<vmem>>, %arg2: memref<128x128xf32, #tpu.memory_space<vmem>>, %arg3: memref<2x2000x1xf32, #tpu.memory_space<vmem>>, %arg4: memref<2000x128xf32, #tpu.memory_space<vmem>>, %arg5: memref<2000x1xf32, #tpu.memory_space<vmem>>) attributes {dimension_semantics = [#tpu.dimension_semantics<arbitrary>], iteration_bounds = array<i64: 5>, scalar_prefetch = 0 : i64, scratch_operands = 0 : i64, tpu.core_type = #tpu.core_type<tc>, window_params = [{transform_indices = @transform_0, window_bounds = array<i64: 2000, 128>}, {pipeline_mode = #tpu.pipeline_mode<synchronous>, transform_indices = @transform_1, window_bounds = array<i64: 128, 128>}, {transform_indices = @transform_2, window_bounds = array<i64: 2, 2000, 1>}, {transform_indices = @transform_3, window_bounds = array<i64: 2000, 128>}, {transform_indices = @transform_4, window_bounds = array<i64: 2000, 1>}]} {
    %get3A = arith.constant 0 : index
    %get3A_0 = arith.constant 0 : index
    %get3A_1 = arith.constant 0 : index
    %get3A_2 = vector.load %arg3[%get3A, %get3A_0, %get3A_1] : memref<2x2000x1xf32, #tpu.memory_space<vmem>>, vector<1x2000x1xf32>
    %get3A_3 = vector.shape_cast %get3A_2 : vector<1x2000x1xf32> to vector<2000x1xf32>
    %get3A_4 = arith.constant 1 : index
    %get3A_5 = arith.constant 0 : index
    %get3A_6 = arith.constant 0 : index
    %get3A_7 = vector.load %arg3[%get3A_4, %get3A_5, %get3A_6] : memref<2x2000x1xf32, #tpu.memory_space<vmem>>, vector<1x2000x1xf32>
    %get3A_8 = vector.shape_cast %get3A_7 : vector<1x2000x1xf32> to vector<2000x1xf32>
    %add3A = arith.addf %get3A_3, %get3A_8 : vector<2000x1xf32>
    %add3A_9 = arith.constant 1.000000e+00 : f32
    %add3A_10 = vector.broadcast %add3A_9 : f32 to vector<2000x1xf32>
    %add3A_11 = arith.addf %add3A, %add3A_10 : vector<2000x1xf32>
    %rsqrt3A = math.rsqrt %add3A_11 : vector<2000x1xf32>
    %get3A_12 = arith.constant 0 : index
    %get3A_13 = arith.constant 0 : index
    %get3A_14 = vector.load %arg1[%get3A_12, %get3A_13] : memref<2000x128xf32, #tpu.memory_space<vmem>>, vector<2000x128xf32>
    %get3A_15 = arith.constant 0 : index
    %get3A_16 = arith.constant 0 : index
    %get3A_17 = vector.load %arg2[%get3A_15, %get3A_16] : memref<128x128xf32, #tpu.memory_space<vmem>>, vector<128x128xf32>
    %dot_general3A = arith.constant dense<0.000000e+00> : vector<2000x128xf32>
    %dot_general3A_18 = tpu.matmul %get3A_14, %get3A_17, %dot_general3A {dimension_numbers = #tpu.dot_dimension_numbers<[1], [0], [0], [1], [0, 0, 1, 1], [], []>, transpose_lhs_hint = false} : vector<2000x128xf32>, vector<128x128xf32>, vector<2000x128xf32> -> vector<2000x128xf32>
    %mul3A = vector.broadcast %rsqrt3A : vector<2000x1xf32> to vector<2000x128xf32>
    %mul3A_19 = arith.mulf %dot_general3A_18, %mul3A : vector<2000x128xf32>
    %swap3A = arith.constant 0 : index
    %swap3A_20 = arith.constant 0 : index
    %swap3A_21 = vector.load %arg4[%swap3A, %swap3A_20] : memref<2000x128xf32, #tpu.memory_space<vmem>>, vector<2000x128xf32>
    tpu.vector_store %arg4[%swap3A, %swap3A_20], %mul3A_19 {strides = array<i32>} : memref<2000x128xf32, #tpu.memory_space<vmem>>, vector<2000x128xf32>,
    %swap3A_22 = arith.constant 0 : index
    %swap3A_23 = arith.constant 0 : index
    %swap3A_24 = vector.load %arg5[%swap3A_22, %swap3A_23] : memref<2000x1xf32, #tpu.memory_space<vmem>>, vector<2000x1xf32>
    tpu.vector_store %arg5[%swap3A_22, %swap3A_23], %rsqrt3A {strides = array<i32>} : memref<2000x1xf32, #tpu.memory_space<vmem>>, vector<2000x1xf32>,
    return
  }
  func.func @transform_0(%arg0: i32) -> (i32, i32) {
    %c0_i32 = arith.constant 0 : i32
    %c0_i32_0 = arith.constant 0 : i32
    return %arg0, %c0_i32 : i32, i32
  }
  func.func @transform_1(%arg0: i32) -> (i32, i32) {
    %c0_i32 = arith.constant 0 : i32
    %c0_i32_0 = arith.constant 0 : i32
    %c0_i32_1 = arith.constant 0 : i32
    return %c0_i32, %c0_i32_0 : i32, i32
  }
  func.func @transform_2(%arg0: i32) -> (i32, i32, i32) {
    %c0_i32 = arith.constant 0 : i32
    %c0_i32_0 = arith.constant 0 : i32
    %c0_i32_1 = arith.constant 0 : i32
    return %c0_i32, %arg0, %c0_i32_0 : i32, i32, i32
  }
  func.func @transform_3(%arg0: i32) -> (i32, i32) {
    %c0_i32 = arith.constant 0 : i32
    %c0_i32_0 = arith.constant 0 : i32
    return %arg0, %c0_i32 : i32, i32
  }
  func.func @transform_4(%arg0: i32) -> (i32, i32) {
    %c0_i32 = arith.constant 0 : i32
    %c0_i32_0 = arith.constant 0 : i32
    return %arg0, %c0_i32 : i32, i32
  }
}

module attributes {stable_mosaic.version = 14 : i64} {
  func.func @_out_body(%arg0: i32, %arg1: memref<2x2000x128xf32, #tpu.memory_space<vmem>>, %arg2: memref<2000x128xf32, #tpu.memory_space<vmem>>, %arg3: memref<2000x1xf32, #tpu.memory_space<vmem>>, %arg4: memref<1x128xf32, #tpu.memory_space<vmem>>, %arg5: memref<2000x128xf32, #tpu.memory_space<vmem>>) attributes {dimension_semantics = [#tpu.dimension_semantics<arbitrary>], iteration_bounds = array<i64: 5>, scalar_prefetch = 0 : i64, scratch_operands = 0 : i64, tpu.core_type = #tpu.core_type<tc>, window_params = [{transform_indices = @transform_0, window_bounds = array<i64: 2, 2000, 128>}, {transform_indices = @transform_1, window_bounds = array<i64: 2000, 128>}, {transform_indices = @transform_2, window_bounds = array<i64: 2000, 1>}, {pipeline_mode = #tpu.pipeline_mode<synchronous>, transform_indices = @transform_3, window_bounds = array<i64: 1, 128>}, {transform_indices = @transform_4, window_bounds = array<i64: 2000, 128>}]} {
    %get3A = arith.constant 0 : index
    %get3A_0 = arith.constant 0 : index
    %get3A_1 = arith.constant 0 : index
    %get3A_2 = vector.load %arg1[%get3A, %get3A_0, %get3A_1] : memref<2x2000x128xf32, #tpu.memory_space<vmem>>, vector<1x2000x128xf32>
    %get3A_3 = vector.shape_cast %get3A_2 : vector<1x2000x128xf32> to vector<2000x128xf32>
    %get3A_4 = arith.constant 1 : index
    %get3A_5 = arith.constant 0 : index
    %get3A_6 = arith.constant 0 : index
    %get3A_7 = vector.load %arg1[%get3A_4, %get3A_5, %get3A_6] : memref<2x2000x128xf32, #tpu.memory_space<vmem>>, vector<1x2000x128xf32>
    %get3A_8 = vector.shape_cast %get3A_7 : vector<1x2000x128xf32> to vector<2000x128xf32>
    %add3A = arith.addf %get3A_3, %get3A_8 : vector<2000x128xf32>
    %get3A_9 = arith.constant 0 : index
    %get3A_10 = arith.constant 0 : index
    %get3A_11 = vector.load %arg2[%get3A_9, %get3A_10] : memref<2000x128xf32, #tpu.memory_space<vmem>>, vector<2000x128xf32>
    %add3A_12 = arith.addf %add3A, %get3A_11 : vector<2000x128xf32>
    %get3A_13 = arith.constant 0 : index
    %get3A_14 = arith.constant 0 : index
    %get3A_15 = vector.load %arg3[%get3A_13, %get3A_14] : memref<2000x1xf32, #tpu.memory_space<vmem>>, vector<2000x1xf32>
    %mul3A = vector.broadcast %get3A_15 : vector<2000x1xf32> to vector<2000x128xf32>
    %mul3A_16 = arith.mulf %add3A_12, %mul3A : vector<2000x128xf32>
    %get3A_17 = arith.constant 0 : index
    %get3A_18 = arith.constant 0 : index
    %get3A_19 = vector.load %arg4[%get3A_17, %get3A_18] : memref<1x128xf32, #tpu.memory_space<vmem>>, vector<1x128xf32>
    %add3A_20 = vector.broadcast %get3A_19 : vector<1x128xf32> to vector<2000x128xf32>
    %add3A_21 = arith.addf %mul3A_16, %add3A_20 : vector<2000x128xf32>
    %swap3A = arith.constant 0 : index
    %swap3A_22 = arith.constant 0 : index
    %swap3A_23 = vector.load %arg5[%swap3A, %swap3A_22] : memref<2000x128xf32, #tpu.memory_space<vmem>>, vector<2000x128xf32>
    tpu.vector_store %arg5[%swap3A, %swap3A_22], %add3A_21 {strides = array<i32>} : memref<2000x128xf32, #tpu.memory_space<vmem>>, vector<2000x128xf32>,
    return
  }
  func.func @transform_0(%arg0: i32) -> (i32, i32, i32) {
    %c0_i32 = arith.constant 0 : i32
    %c0_i32_0 = arith.constant 0 : i32
    %c0_i32_1 = arith.constant 0 : i32
    return %c0_i32, %arg0, %c0_i32_0 : i32, i32, i32
  }
  func.func @transform_1(%arg0: i32) -> (i32, i32) {
    %c0_i32 = arith.constant 0 : i32
    %c0_i32_0 = arith.constant 0 : i32
    return %arg0, %c0_i32 : i32, i32
  }
  func.func @transform_2(%arg0: i32) -> (i32, i32) {
    %c0_i32 = arith.constant 0 : i32
    %c0_i32_0 = arith.constant 0 : i32
    return %arg0, %c0_i32 : i32, i32
  }
  func.func @transform_3(%arg0: i32) -> (i32, i32) {
    %c0_i32 = arith.constant 0 : i32
    %c0_i32_0 = arith.constant 0 : i32
    %c0_i32_1 = arith.constant 0 : i32
    return %c0_i32, %c0_i32_0 : i32, i32
  }
  func.func @transform_4(%arg0: i32) -> (i32, i32) {
    %c0_i32 = arith.constant 0 : i32
    %c0_i32_0 = arith.constant 0 : i32
    return %arg0, %c0_i32 : i32, i32
  }
}

module attributes {stable_mosaic.version = 14 : i64} {
  func.func @_mm2_body(%arg0: i32, %arg1: memref<2x2000x128xf32, #tpu.memory_space<vmem>>, %arg2: memref<2000x128xf32, #tpu.memory_space<vmem>>, %arg3: memref<2000x1xf32, #tpu.memory_space<vmem>>, %arg4: memref<1x128xf32, #tpu.memory_space<vmem>>, %arg5: memref<128x128xf32, #tpu.memory_space<vmem>>, %arg6: memref<2000x128xf32, #tpu.memory_space<vmem>>) attributes {dimension_semantics = [#tpu.dimension_semantics<arbitrary>], iteration_bounds = array<i64: 5>, scalar_prefetch = 0 : i64, scratch_operands = 0 : i64, tpu.core_type = #tpu.core_type<tc>, window_params = [{transform_indices = @transform_0, window_bounds = array<i64: 2, 2000, 128>}, {transform_indices = @transform_1, window_bounds = array<i64: 2000, 128>}, {transform_indices = @transform_2, window_bounds = array<i64: 2000, 1>}, {pipeline_mode = #tpu.pipeline_mode<synchronous>, transform_indices = @transform_3, window_bounds = array<i64: 1, 128>}, {pipeline_mode = #tpu.pipeline_mode<synchronous>, transform_indices = @transform_4, window_bounds = array<i64: 128, 128>}, {transform_indices = @transform_5, window_bounds = array<i64: 2000, 128>}]} {
    %get3A = arith.constant 0 : index
    %get3A_0 = arith.constant 0 : index
    %get3A_1 = vector.load %arg3[%get3A, %get3A_0] : memref<2000x1xf32, #tpu.memory_space<vmem>>, vector<2000x1xf32>
    %get3A_2 = arith.constant 0 : index
    %get3A_3 = arith.constant 0 : index
    %get3A_4 = arith.constant 0 : index
    %get3A_5 = vector.load %arg1[%get3A_2, %get3A_3, %get3A_4] : memref<2x2000x128xf32, #tpu.memory_space<vmem>>, vector<1x2000x128xf32>
    %get3A_6 = vector.shape_cast %get3A_5 : vector<1x2000x128xf32> to vector<2000x128xf32>
    %get3A_7 = arith.constant 1 : index
    %get3A_8 = arith.constant 0 : index
    %get3A_9 = arith.constant 0 : index
    %get3A_10 = vector.load %arg1[%get3A_7, %get3A_8, %get3A_9] : memref<2x2000x128xf32, #tpu.memory_space<vmem>>, vector<1x2000x128xf32>
    %get3A_11 = vector.shape_cast %get3A_10 : vector<1x2000x128xf32> to vector<2000x128xf32>
    %add3A = arith.addf %get3A_6, %get3A_11 : vector<2000x128xf32>
    %get3A_12 = arith.constant 0 : index
    %get3A_13 = arith.constant 0 : index
    %get3A_14 = vector.load %arg2[%get3A_12, %get3A_13] : memref<2000x128xf32, #tpu.memory_space<vmem>>, vector<2000x128xf32>
    %add3A_15 = arith.addf %add3A, %get3A_14 : vector<2000x128xf32>
    %mul3A = vector.broadcast %get3A_1 : vector<2000x1xf32> to vector<2000x128xf32>
    %mul3A_16 = arith.mulf %add3A_15, %mul3A : vector<2000x128xf32>
    %get3A_17 = arith.constant 0 : index
    %get3A_18 = arith.constant 0 : index
    %get3A_19 = vector.load %arg4[%get3A_17, %get3A_18] : memref<1x128xf32, #tpu.memory_space<vmem>>, vector<1x128xf32>
    %add3A_20 = vector.broadcast %get3A_19 : vector<1x128xf32> to vector<2000x128xf32>
    %add3A_21 = arith.addf %mul3A_16, %add3A_20 : vector<2000x128xf32>
    %max3A = arith.constant 0.000000e+00 : f32
    %max3A_22 = vector.broadcast %max3A : f32 to vector<2000x128xf32>
    %max3A_23 = arith.maximumf %add3A_21, %max3A_22 : vector<2000x128xf32>
    %get3A_24 = arith.constant 0 : index
    %get3A_25 = arith.constant 0 : index
    %get3A_26 = vector.load %arg5[%get3A_24, %get3A_25] : memref<128x128xf32, #tpu.memory_space<vmem>>, vector<128x128xf32>
    %dot_general3A = arith.constant dense<0.000000e+00> : vector<2000x128xf32>
    %dot_general3A_27 = tpu.matmul %max3A_23, %get3A_26, %dot_general3A {dimension_numbers = #tpu.dot_dimension_numbers<[1], [0], [0], [1], [0, 0, 1, 1], [], []>, transpose_lhs_hint = false} : vector<2000x128xf32>, vector<128x128xf32>, vector<2000x128xf32> -> vector<2000x128xf32>
    %mul3A_28 = vector.broadcast %get3A_1 : vector<2000x1xf32> to vector<2000x128xf32>
    %mul3A_29 = arith.mulf %dot_general3A_27, %mul3A_28 : vector<2000x128xf32>
    %swap3A = arith.constant 0 : index
    %swap3A_30 = arith.constant 0 : index
    %swap3A_31 = vector.load %arg6[%swap3A, %swap3A_30] : memref<2000x128xf32, #tpu.memory_space<vmem>>, vector<2000x128xf32>
    tpu.vector_store %arg6[%swap3A, %swap3A_30], %mul3A_29 {strides = array<i32>} : memref<2000x128xf32, #tpu.memory_space<vmem>>, vector<2000x128xf32>,
    return
  }
  func.func @transform_0(%arg0: i32) -> (i32, i32, i32) {
    %c0_i32 = arith.constant 0 : i32
    %c0_i32_0 = arith.constant 0 : i32
    %c0_i32_1 = arith.constant 0 : i32
    return %c0_i32, %arg0, %c0_i32_0 : i32, i32, i32
  }
  func.func @transform_1(%arg0: i32) -> (i32, i32) {
    %c0_i32 = arith.constant 0 : i32
    %c0_i32_0 = arith.constant 0 : i32
    return %arg0, %c0_i32 : i32, i32
  }
  func.func @transform_2(%arg0: i32) -> (i32, i32) {
    %c0_i32 = arith.constant 0 : i32
    %c0_i32_0 = arith.constant 0 : i32
    return %arg0, %c0_i32 : i32, i32
  }
  func.func @transform_3(%arg0: i32) -> (i32, i32) {
    %c0_i32 = arith.constant 0 : i32
    %c0_i32_0 = arith.constant 0 : i32
    %c0_i32_1 = arith.constant 0 : i32
    return %c0_i32, %c0_i32_0 : i32, i32
  }
  func.func @transform_4(%arg0: i32) -> (i32, i32) {
    %c0_i32 = arith.constant 0 : i32
    %c0_i32_0 = arith.constant 0 : i32
    %c0_i32_1 = arith.constant 0 : i32
    return %c0_i32, %c0_i32_0 : i32, i32
  }
  func.func @transform_5(%arg0: i32) -> (i32, i32) {
    %c0_i32 = arith.constant 0 : i32
    %c0_i32_0 = arith.constant 0 : i32
    return %arg0, %c0_i32 : i32, i32
  }
}

</mosaic_0001>

<sc_bundles>
// kernel: kernel.11.cloned.1.call-start
scs
__scs_entry_jumppad:
0x0: {  	(pc) =	sbr.rel $0x88, $3  }
0x1: {  	(tag) =	ssettag $0x0;
	lr =	simm.s32 $0x1  }
0x2: {  	[smem:$0x3F9B] =	sst lr;
	_ =	strace $0xD0000000  }
0x3: {  	_ = 	snop  }
0x4: {  	_ = 	snop  }
0x5: {  	_ = 	snop  }
0x6: {  	_ = 	snop  }
0x7: {  	_ = 	snop  }
__scs_overlays_trampoline_lowered:
0x8: {  	[smem:$0x3FAA] =	sst s0  }
0x9: {  	[smem:$0x3FAB] =	sst s1  }
0xa: {  	[smem:$0x3FAC] =	sst s2  }
0xb: {  	[smem:$0x3FAD] =	sst s3  }
0xc: {  	[smem:$0x3FAE] =	sst s4  }
0xd: {  	[smem:$0x3FAF] =	sst s5  }
0xe: {  	[smem:$0x3FB0] =	sst s6  }
0xf: {  	[smem:$0x3FB1] =	sst s7  }
0x10: {  	[smem:$0x3FB2] =	sst s8  }
0x11: {  	[smem:$0x3FB3] =	sst s9;
	s0 =	simm.s32 @!p0 $0x0  }
0x12: {  	s1 =	sld [smem:$0x3F99];
	s0 =	simm.s32 @p0 $0x1  }
0x13: {  	[smem:$0x3FB4] =	sst s0;
	s0 =	simm.s32 @!p1 $0x0  }
0x14: {  	s2 =	sld [smem:$0x3F98];
	s0 =	simm.s32 @p1 $0x1  }
0x15: {  	[smem:$0x3FB5] =	sst s0;
	s0 =	simm.s32 @!p2 $0x0  }
0x16: {  	s3 =	sld [smem:$0x3FDB];
	s0 =	simm.s32 @p2 $0x1  }
0x17: {  	s4 =	simm.s32 $0x1BF5;
	[smem:$0x3FB7] =	sst s0  }
0x18: {  	s0 =	sld [smem:$0x3F9A];
	_ =	swait.ge [sflag:s4], $0x0  }
0x19: {  	s7 =	sld [smem:$0x3F9B]  }
0x1a: {  	s8 =	sadd.s32 $0xFFFFE003, lr  }
0x1b: {  	s9 =	sadd.s32 $0xFFFFFEF7, lr;
	s5 =	simm.s32 $0xFFFFFFFF;
	p2 =	slt.u32 s8, $0xFFFFF086  }
0x1c: {  	p1 =	slt.u32 s9, $0xF7A;
	s5 =	simm.s32 @!p2 $0x0  }
0x1d: {  	s5 =	simm.s32 @p1 $0x1;
	p0 =	seq.s32 s7, s2  }
0x1e: {  	s7 =	smul.u32 @!p0 $0xF7A, s2;
	p2 =	seq.s32 @!p0 s5, $0x0  }
0x1f: {  	s9 =	smul.u32 $0xF7A, s1;
	s8 =	simm.s32 @!p0 $0x1BF5;
	p2 =	por !p2, p0  }
0x20: {  	[sflag:s8] =	ssyncset.s32 @!p0 $0xFFFFF086;
	s6 =	sadd.s32 @!p0 s3, s7;
	s7 =	simm.s32 @!p0 $0x108  }
0x21: {  	s3 =	sadd.s32 s3, s9;
	s6 =	sadd.s32 @!p0 $0x88, s6;
	s7 =	simm.s32 @p2 $0x1082  }
0x22: {  	[simem:s7], [sflag:s8] =	dma.local @!p0 [hbm:s6], $0xF7A  }
0x23: {  	s9 =	sor.u32 $0xD0000000, s2;
	s6 =	simm.s32 $0x108;
	_ =	swait.ge @!p0 [sflag:s8], $0x0  }
0x24: {  	s3 =	sadd.s32 $0x88, s3;
	s6 =	simm.s32 @!p1 $0x1082;
	[sflag:s4] =	ssyncset.s32 $0xFFFFF086  }
0x25: {  	[simem:s6], [sflag:s4] =	dma.local [hbm:s3], $0xF7A  }
0x26: {  	[smem:$0x3F9B] =	sst s1;
	(tag) =	ssettag s2;
	_ =	strace s9  }
0x27: {  	s1 =	sld [smem:$0x3FAB]  }
0x28: {  	s2 =	sld [smem:$0x3FAC]  }
0x29: {  	s4 =	sld [smem:$0x3FAE]  }
0x2a: {  	p0 =	seq.s32 s5, $0x0;
	s5 =	sld [smem:$0x3FAF]  }
0x2b: {  	s6 =	sld [smem:$0x3FB0]  }
0x2c: {  	s7 =	sld [smem:$0x3FB1]  }
0x2d: {  	s3 =	simm.s32 $0x108;
	s8 =	sld [smem:$0x3FB2]  }
0x2e: {  	s3 =	simm.s32 @!p0 $0x1082;
	s9 =	sld [smem:$0x3FB3]  }
0x2f: {  	lr =	sadd.s32 s0, s3;
	s0 =	sld [smem:$0x3FAA]  }
0x30: {  	s3 =	sld [smem:$0x3FAD]  }
0x31: {  	[smem:$0x3FB6] =	sst s10  }
0x32: {  	s10 =	sld [smem:$0x3FB4];
	_ =	sdelay $0x3  }
0x33: {  	p0 =	seq.s32 s10, $0x1;
	s10 =	sld [smem:$0x3FB6];
	_ =	sdelay $0x3  }
0x34: {  	[smem:$0x3FB6] =	sst s10  }
0x35: {  	s10 =	sld [smem:$0x3FB5];
	_ =	sdelay $0x3  }
0x36: {  	p1 =	seq.s32 s10, $0x1;
	s10 =	sld [smem:$0x3FB6];
	_ =	sdelay $0x3  }
0x37: {  	[smem:$0x3FB6] =	sst s10  }
0x38: {  	s10 =	sld [smem:$0x3FB7]  }
0x39: {  	_ = 	snop;
	(pc) =	sbr.ind lr, $3  }
0x3a: {  	_ = 	snop  }
0x3b: {  	_ = 	snop  }
0x3c: {  	p2 =	seq.s32 s10, $0x1;
	s10 =	sld [smem:$0x3FB6]  }
0x3d: {  	_ =	shalt  }
0x3e: {  	_ =	shalt  }
0x3f: {  	_ =	shalt  }
0x40: {  	_ =	shalt  }
0x41: {  	_ =	shalt  }
0x42: {  	_ =	shalt  }
0x43: {  	_ =	shalt  }
0x44: {  	_ =	shalt  }
0x45: {  	_ =	shalt  }
0x46: {  	_ =	shalt  }
0x47: {  	_ =	shalt  }
0x48: {  	_ =	shalt  }
0x49: {  	_ =	shalt  }
0x4a: {  	_ =	shalt  }
0x4b: {  	_ =	shalt  }
0x4c: {  	_ =	shalt  }
0x4d: {  	_ =	shalt  }
0x4e: {  	_ =	shalt  }
0x4f: {  	_ =	shalt  }
0x50: {  	_ =	shalt  }
0x51: {  	_ =	shalt  }
0x52: {  	_ =	shalt  }
0x53: {  	_ =	shalt  }
0x54: {  	_ =	shalt  }
0x55: {  	_ =	shalt  }
0x56: {  	_ =	shalt  }
0x57: {  	_ =	shalt  }
0x58: {  	_ =	shalt  }
0x59: {  	_ =	shalt  }
0x5a: {  	_ =	shalt  }
0x5b: {  	_ =	shalt  }
0x5c: {  	_ =	shalt  }
0x5d: {  	_ =	shalt  }
0x5e: {  	_ =	shalt  }
0x5f: {  	_ =	shalt  }
0x60: {  	_ =	shalt  }
0x61: {  	_ =	shalt  }
0x62: {  	_ =	shalt  }
0x63: {  	_ =	shalt  }
0x64: {  	_ =	shalt  }
0x65: {  	_ =	shalt  }
0x66: {  	_ =	shalt  }
0x67: {  	_ =	shalt  }
0x68: {  	_ =	shalt  }
0x69: {  	_ =	shalt  }
0x6a: {  	_ =	shalt  }
0x6b: {  	_ =	shalt  }
0x6c: {  	_ =	shalt  }
0x6d: {  	_ =	shalt  }
0x6e: {  	_ =	shalt  }
0x6f: {  	_ =	shalt  }
0x70: {  	_ =	shalt  }
0x71: {  	_ =	shalt  }
0x72: {  	_ =	shalt  }
0x73: {  	_ =	shalt  }
0x74: {  	_ =	shalt  }
0x75: {  	_ =	shalt  }
0x76: {  	_ =	shalt  }
0x77: {  	_ =	shalt  }
0x78: {  	_ =	shalt  }
0x79: {  	_ =	shalt  }
0x7a: {  	_ =	shalt  }
0x7b: {  	_ =	shalt  }
0x7c: {  	_ =	shalt  }
0x7d: {  	_ =	shalt  }
0x7e: {  	_ =	shalt  }
0x7f: {  	_ =	shalt  }
0x80: {  	_ =	shalt  }
0x81: {  	_ =	shalt  }
0x82: {  	_ =	shalt  }
0x83: {  	_ =	shalt  }
0x84: {  	_ =	shalt  }
0x85: {  	_ =	shalt  }
0x86: {  	_ =	shalt  }
0x87: {  	_ =	shalt  }
.Lfunc_end0:
.L_simem_size_0:
called_computation.1_lowered:
.L_overlay_start_0:
0x88: {  	s2 =	sld [smem:$0x3FD9]  }
0x89: {  	s3 =	sld [smem:$0x3FFE];
	_ =	sdelay $0x1  }
0x8a: {  	s1 =	srdreg.scid  }
0x8b: {  	s0 =	sand.u32 $0x1, s1  }
0x8c: {  	s17 =	sshll.u32 s0, $0xA;
	s2 =	sadd.s32 s3, s2  }
0x8d: {  	s2 =	sadd.s32 s2, s17  }
0x8e: {  	[smem:$0x3FC2] =	sst s2  }
0x8f: {  	_ = 	snop  }
0x90: {  	s2 =	sld [smem:$0x3FD0];
	(tm) =	ssettm $0x1  }
0x91: {  	s18 =	sld [smem:$0x3FFB];
	_ =	sdelay $0x3  }
0x92: {  	_ =	strace s18  }
0x93: {  	s3 =	sld [smem:$0x3FFC];
	_ =	sdelay $0x3  }
0x94: {  	_ =	strace s3  }
0x95: {  	s3 =	sld [smem:$0x3FFD];
	_ =	sdelay $0x3  }
0x96: {  	_ =	strace s3  }
0x97: {  	_ =	strace $0x8FFFFFFF  }
0x98: {  	s19 =	sld [smem:$0x3FDB];
	_ =	sdelay $0x1  }
0x99: {  	s4 =	simm.s32 $_scs_section_size  }
0x9a: {  	s5 =	simm.s32 $_size__tile_overlayer_lowered;
	s6 =	simm.s32 $_tile_overlayer_lowered  }
0x9b: {  	s22 =	simm.s32 $0x1BFF;
	s21 =	sshll.u32 s6, $0x1;
	s3 =	sadd.s32 s4, s19  }
0x9c: {  	s7 =	simm.s32 $0x0;
	s20 =	sshll.u32 s5, $0x1;
	s5 =	sadd.s32 s21, s3  }
0x9d: {  	[timem:s7], [sflag:s22] =	dma.local [hbm:s5], s20  }
0x9e: {  	_ =	swait.ge [sflag:s22], s20  }
0x9f: {  	s4 =	ssub.s32 $0x0, s20;
	[sflag:s22] =	ssyncset.done $0x0  }
0xa0: {  	[sflag:s22] =	ssyncadd.s32 s4;
	_ =	sdelay $0x1  }
0xa1: {  	s23 =	simm.s32 $0x1B8B  }
0xa2: {  	_ =	swait.ge [sflag:s23], $0x1  }
0xa3: {  	[sflag:s23] =	ssyncset.done $0x0  }
0xa4: {  	s25 =	simm.s32 $0x1B8E;
	s24 =	sld [smem:$0x3FFE];
	[sflag:s23] =	ssyncadd.s32 $0xFFFFFFFF  }
0xa5: {  	s26 =	simm.s32 $execute0_lowered;
	[smem:$0x3FD2] =	sst s25  }
0xa6: {  	s5 =	sshll.u32 s26, $0x1;
	_ =	strace $0x80000049;
	[dreg:$0x1] =	wrdreg $0xFFFFFFFF  }
0xa7: {  	s28 =	simm.s32 $_size_execute0_lowered;
	s3 =	sadd.s32 s3, s5;
	[dreg:$0x0] =	wrdreg $0x0  }
0xa8: {  	s5 =	sshll.u32 s28, $0x1;
	[dreg:$0x2] =	wrdreg s3  }
0xa9: {  	[dreg:$0x3] =	wrdreg s5  }
0xaa: {  	[dreg:$0x4] =	wrdreg $0xC0  }
0xab: {  	_ =	task [dreg:s7], $0x5FFFF  }
0xac: {  	[dreg:$0x1] =	wrdreg $0xFFFFFFFF  }
0xad: {  	[dreg:$0x0] =	wrdreg $0x60  }
0xae: {  	[dreg:$0x2] =	wrdreg s2  }
0xaf: {  	[dreg:$0x3] =	wrdreg s24  }
0xb0: {  	[dreg:$0x4] =	wrdreg $0xA8000  }
0xb1: {  	[dreg:$0x5] =	wrdreg $0x9  }
0xb2: {  	_ =	task.clear_ibuf [dreg:s7], $0x6FFFF;
	_ =	strace $0x90000049  }
0xb3: {  	s29 =	simm.s32 $0x9;
	_ =	strace $0x8000004B  }
0xb4: {  	_ =	swait.ge [sflag:s29], $0x1  }
0xb5: {  	[sflag:s29] =	ssyncadd.s32 $0xFFFFFFFF  }
0xb6: {  	_ =	strace $0x9000004B  }
0xb7: {  	_ =	sfence  }
0xb8: {  	s30 =	sld [smem:$0x0];
	_ =	sdelay $0x2  }
0xb9: {  	s31 =	sshll.u32 s1, $0xD;
	s1 =	sshrl.u32 s1, $0x2  }
0xba: {  	s3 =	sand.u32 $0x4000, s31;
	s1 =	sadd.s32 s1, s30  }
0xbb: {  	s0 =	sor.u32 s3, s0;
	s1 =	sshll.u32 s1, $0x11  }
0xbc: {  	s0 =	sor.u32 s1, s0  }
0xbd: {  	s0 =	sadd.s32 $0x8F2B, s0  }
0xbe: {  	[sflag:s0] =	ssyncadd.remote.s32 $0x1  }
0xbf: {  	_ =	sfence.sel $0xFFFF  }
0xc0: {  	[dreg:$0x0] =	wrdreg $0xFFFFFFFF;
	(pc) =	sbr.abs _section_cstart, $3  }
0xc1: {  	[dreg:$0x1] =	wrdreg $0xFFFFFFFF  }
0xc2: {  	_ =	task.clear_ibuf [dreg:s7], $0x2FFFF;
	_ =	strace $0x9FFFFFFF  }
0xc3: {  	(tm) =	ssettm $0x7FFFFFFF  }
tec
execute0_lowered:
.L_overlay_start_1:
0x0: {  	(tag) =	ssettag $0x1  }
0x1: {  	s1 =	rddreg [dreg:$0x0]  }
0x2: {  	s6 =	rddreg [dreg:$0x1]  }
0x3: {  	s2 =	rddreg [dreg:$0x2]  }
0x4: {  	s3 =	srdreg.scid;
	s0 =	rddreg [dreg:$0x3]  }
0x5: {  	s4 =	simm.s32 $0x0;
	s17 =	simm.s32 $0x80;
	s18 =	simm.s32 $0x2800  }
0x6: {  	s19 =	simm.s32 $0x3;
	s20 =	simm.s32 $0x1;
	s5 =	sand.u32 $0x1, s3  }
0x7: {  	s21 =	simm.s32 $0x6800;
	s3 =	stileid.u32;
	s7 =	smul.u32 $0x140000, s5  }
0x8: {  	s22 =	simm.s32 $0x2;
	s23 =	simm.s32 $0x1380;
	s8 =	smul.u32 $0x14000, s3  }
0x9: {  	s24 =	simm.s32 $0x2700;
	[smem:$0x7FF] =	sst s4;
	s9 =	smul.u32 $0x50000, s3  }
0xa: {  	s10 =	sadd.s32 $0xCA00, s6;
	s11 =	sadd.s32 $0x2600, s6;
	s25 =	smul.u32 $0x28000, s5  }
0xb: {  	_ =	strace $0x8000004A;
	s12 =	ssub.s32 $0x2, s5;
	s13 =	smul.u32 $0x2800, s3  }
0xc: {  	s5 =	sadd.s32 $0x16A00, s6;
	s26 =	sshrl.u32 s12, $0x1;
	s7 =	sadd.s32 s8, s7  }
0xd: {  	s15 =	ssub.s32 s12, s26;
	s28 =	sshrl.u32 s9, $0x2;
	s29 =	sadd.s32 s13, s25  }
0xe: {  	s25 =	simm.s32 $0x2780;
	s26 =	simm.s32 $0x0;
	s7 =	sshrl.u32 s7, $0x3  }
0xf: {  	s16 =	sadd.s32 s28, s2;
	s30 =	sshrl.u32 s29, $0x3;
	s13 =	smax.u32 s15, $0x1  }
0x10: {  	s15 =	simm.s32 $0x4;
	s14 =	sadd.s32 s7, s6;
	s6 =	sshll.u32 s3, $0x6  }
0x11: {  	s8 =	sadd.s32 s10, s30;
	s31 =	sadd.s32 $0x280, s30;
	s9 =	sadd.s32 s11, s30  }
0x12: {  	s7 =	sor.u32 $0x1C03, s6;
	s10 =	sadd.s32 s10, s31;
	s11 =	sadd.s32 s11, s31  }
0x13: {  	s12 =	sadd.s32 $0x19200, s14;
	s14 =	sshrl.u32 s16, $0x3;
	s16 =	simm.s32 $0x1400  }
.LBB2_1:
0x14: {  	[spmem:s14], [sflag:s7] =	dma.local [hbm:s5], $0x2800  }
0x15: {  	[tilespmem:s4], [sflag:$0x4] =	stream.linear.gather [hbm4b:s8+s4], $0x1400, $0x38;
	[tilespmem:$0x1E800] =	vst v63  }
0x16: {  	_ =	swait.ge [sflag:s15], $0x1400  }
0x17: {  	[sflag:s15] =	ssyncset.done $0x0  }
0x18: {  	[sflag:s15] =	ssyncadd.s32 $0xFFFFEC00  }
0x19: {  	[tilespmem:s16], [sflag:$0x4] =	stream.linear.gather [hbm4b:s9+s4], $0x1400, $0x38;
	[tilespmem:$0x1E800] =	vst v63  }
0x1a: {  	_ =	swait.ge [sflag:s15], $0x1400  }
0x1b: {  	[sflag:s15] =	ssyncset.done $0x0  }
0x1c: {  	[sflag:s15] =	ssyncadd.s32 $0xFFFFEC00  }
0x1d: {  	[tilespmem:s18], [sflag:$0x1] =	stream.indirect.gather [hbm4b:s1+s17], $0x80, s4, s17, $0xb8;
	[tilespmem:$0x1E800] =	vst v63  }
0x1e: {  	_ =	swait.ge [sflag:s19], $0x2800  }
0x1f: {  	[sflag:s19] =	ssyncset.done $0x0  }
0x20: {  	[sflag:s19] =	ssyncadd.s32 $0xFFFFD800  }
0x21: {  	[bflag:$0x0] =	sbarrier.arrive $0xFFFF  }
0x22: {  	_ =	swait.ge [sflag:s20], $0x4000  }
0x23: {  	[sflag:s20] =	ssyncset.done $0x0  }
0x24: {  	s28 =	simm.s32 $0x80;
	[sflag:s20] =	ssyncadd.s32 $0xFFFFC000  }
0x25: {  	[tilespmem:s21], [sflag:$0x2] =	stream.indirect.gather [hbm4b:s1+s17], $0x80, s28, s17, $0xb8;
	[tilespmem:$0x1E800] =	vst v63  }
0x26: {  	s28 =	simm.s32 $0x1400  }
0x27: {  	[spmem:s2] =	stream.indirect.scatter.add.f32 [tilespmem:s18], [sflag:$0x4], $0x80, s28, s17, $0xb8;
	[tilespmem:$0x1E800] =	vst v63  }
0x28: {  	_ =	swait.ge [sflag:s15], $0x4000  }
0x29: {  	[sflag:s15] =	ssyncset.done $0x0  }
0x2a: {  	[sflag:s15] =	ssyncadd.s32 $0xFFFFC000  }
0x2b: {  	_ =	swait.ge [sflag:s22], $0x4000  }
0x2c: {  	[sflag:s22] =	ssyncset.done $0x0  }
0x2d: {  	s28 =	simm.s32 $0x100;
	[sflag:s22] =	ssyncadd.s32 $0xFFFFC000  }
0x2e: {  	[tilespmem:s18], [sflag:$0x1] =	stream.indirect.gather [hbm4b:s1+s17], $0x80, s28, s17, $0xb8;
	[tilespmem:$0x1E800] =	vst v63  }
0x2f: {  	s28 =	simm.s32 $0x1480  }
0x30: {  	[spmem:s2] =	stream.indirect.scatter.add.f32 [tilespmem:s21], [sflag:$0x4], $0x80, s28, s17, $0xb8;
	[tilespmem:$0x1E800] =	vst v63  }
0x31: {  	_ =	swait.ge [sflag:s15], $0x4000  }
0x32: {  	s28 =	simm.s32 $0x400;
	[sflag:s15] =	ssyncset.done $0x0  }
.LBB2_2:
0x33: {  	p0 =	sne.s32 s28, $0x4800  }
0x34: {  	[sflag:s15] =	ssyncadd.s32 $0xFFFFC000;
	s29 =	smov.u32 s28;
	s28 =	sadd.s32 $0x400, s28  }
0x35: {  	_ = 	snop  }
0x36: {  	_ =	swait.ge [sflag:s20], $0x4000  }
0x37: {  	s29 =	sshra.s32 s29, $0x2;
	[sflag:s20] =	ssyncset.done $0x0  }
0x38: {  	s30 =	sadd.s32 $0x80, s29;
	[sflag:s20] =	ssyncadd.s32 $0xFFFFC000  }
0x39: {  	[tilespmem:s21], [sflag:$0x2] =	stream.indirect.gather [hbm4b:s1+s17], $0x80, s30, s17, $0xb8;
	[tilespmem:$0x1E800] =	vst v63  }
0x3a: {  	s30 =	sadd.s32 $0x1400, s29  }
0x3b: {  	[spmem:s2] =	stream.indirect.scatter.add.f32 [tilespmem:s18], [sflag:$0x4], $0x80, s30, s17, $0xb8;
	[tilespmem:$0x1E800] =	vst v63  }
0x3c: {  	_ =	swait.ge [sflag:s15], $0x4000  }
0x3d: {  	[sflag:s15] =	ssyncset.done $0x0  }
0x3e: {  	[sflag:s15] =	ssyncadd.s32 $0xFFFFC000  }
0x3f: {  	_ =	swait.ge [sflag:s22], $0x4000  }
0x40: {  	[sflag:s22] =	ssyncset.done $0x0  }
0x41: {  	s30 =	sadd.s32 $0x100, s29;
	[sflag:s22] =	ssyncadd.s32 $0xFFFFC000  }
0x42: {  	[tilespmem:s18], [sflag:$0x1] =	stream.indirect.gather [hbm4b:s1+s17], $0x80, s30, s17, $0xb8;
	[tilespmem:$0x1E800] =	vst v63  }
.Ltmp0:
0x43: {  	_ = 	snop;
	(pc) =	sbr.rel @p0 .LBB2_2-.Ltmp0, $4  }
0x44: {  	s29 =	sadd.s32 $0x1480, s29  }
0x45: {  	[spmem:s2] =	stream.indirect.scatter.add.f32 [tilespmem:s21], [sflag:$0x4], $0x80, s29, s17, $0xb8;
	[tilespmem:$0x1E800] =	vst v63  }
0x46: {  	_ =	swait.ge [sflag:s15], $0x4000  }
0x47: {  	[sflag:s15] =	ssyncset.done $0x0  }
0x48: {  	[sflag:s15] =	ssyncadd.s32 $0xFFFFC000  }
0x49: {  	_ =	swait.ge [sflag:s20], $0x4000  }
0x4a: {  	[sflag:s20] =	ssyncset.done $0x0  }
0x4b: {  	[sflag:s20] =	ssyncadd.s32 $0xFFFFC000  }
0x4c: {  	[tilespmem:s21], [sflag:$0x2] =	stream.indirect.gather [hbm4b:s1+s17], $0x80, s23, s17, $0xb8;
	[tilespmem:$0x1E800] =	vst v63  }
0x4d: {  	_ = 	snop  }
0x4e: {  	[spmem:s2] =	stream.indirect.scatter.add.f32 [tilespmem:s18], [sflag:$0x4], $0x80, s24, s17, $0xb8;
	[tilespmem:$0x1E800] =	vst v63  }
0x4f: {  	_ =	swait.ge [sflag:s15], $0x4000  }
0x50: {  	[sflag:s15] =	ssyncset.done $0x0  }
0x51: {  	[sflag:s15] =	ssyncadd.s32 $0xFFFFC000  }
0x52: {  	_ =	swait.ge [sflag:s22], $0x4000  }
0x53: {  	[sflag:s22] =	ssyncset.done $0x0  }
0x54: {  	[sflag:s22] =	ssyncadd.s32 $0xFFFFC000  }
0x55: {  	[spmem:s2] =	stream.indirect.scatter.add.f32 [tilespmem:s21], [sflag:$0x4], $0x80, s25, s17, $0xb8;
	[tilespmem:$0x1E800] =	vst v63  }
0x56: {  	_ =	swait.ge [sflag:s15], $0x4000  }
0x57: {  	[sflag:s15] =	ssyncset.done $0x0  }
0x58: {  	s28 =	simm.s32 $0x0;
	[sflag:s15] =	ssyncadd.s32 $0xFFFFC000  }
0x59: {  	[tilespmem:s28], [sflag:$0x4] =	stream.linear.gather [hbm4b:s10+s28], $0x1400, $0x38;
	[tilespmem:$0x1E800] =	vst v63  }
0x5a: {  	_ =	swait.ge [sflag:s15], $0x1400  }
0x5b: {  	[sflag:s15] =	ssyncset.done $0x0  }
0x5c: {  	[sflag:s15] =	ssyncadd.s32 $0xFFFFEC00  }
0x5d: {  	[tilespmem:s16], [sflag:$0x4] =	stream.linear.gather [hbm4b:s11+s28], $0x1400, $0x38;
	[tilespmem:$0x1E800] =	vst v63  }
0x5e: {  	_ =	swait.ge [sflag:s15], $0x1400  }
0x5f: {  	[sflag:s15] =	ssyncset.done $0x0  }
0x60: {  	[sflag:s15] =	ssyncadd.s32 $0xFFFFEC00  }
0x61: {  	[tilespmem:s18], [sflag:$0x1] =	stream.indirect.gather [hbm4b:s1+s17], $0x80, s28, s17, $0xb8;
	[tilespmem:$0x1E800] =	vst v63  }
0x62: {  	_ =	swait.ge [sflag:s20], $0x4000  }
0x63: {  	[sflag:s20] =	ssyncset.done $0x0  }
0x64: {  	s28 =	simm.s32 $0x80;
	[sflag:s20] =	ssyncadd.s32 $0xFFFFC000  }
0x65: {  	[tilespmem:s21], [sflag:$0x2] =	stream.indirect.gather [hbm4b:s1+s17], $0x80, s28, s17, $0xb8;
	[tilespmem:$0x1E800] =	vst v63  }
0x66: {  	s28 =	simm.s32 $0x1400  }
0x67: {  	[spmem:s2] =	stream.indirect.scatter.add.f32 [tilespmem:s18], [sflag:$0x4], $0x80, s28, s17, $0xb8;
	[tilespmem:$0x1E800] =	vst v63  }
0x68: {  	_ =	swait.ge [sflag:s15], $0x4000  }
0x69: {  	[sflag:s15] =	ssyncset.done $0x0  }
0x6a: {  	[sflag:s15] =	ssyncadd.s32 $0xFFFFC000  }
0x6b: {  	_ =	swait.ge [sflag:s22], $0x4000  }
0x6c: {  	[sflag:s22] =	ssyncset.done $0x0  }
0x6d: {  	s28 =	simm.s32 $0x100;
	[sflag:s22] =	ssyncadd.s32 $0xFFFFC000  }
0x6e: {  	[tilespmem:s18], [sflag:$0x1] =	stream.indirect.gather [hbm4b:s1+s17], $0x80, s28, s17, $0xb8;
	[tilespmem:$0x1E800] =	vst v63  }
0x6f: {  	s28 =	simm.s32 $0x1480  }
0x70: {  	[spmem:s2] =	stream.indirect.scatter.add.f32 [tilespmem:s21], [sflag:$0x4], $0x80, s28, s17, $0xb8;
	[tilespmem:$0x1E800] =	vst v63  }
0x71: {  	_ =	swait.ge [sflag:s15], $0x4000  }
0x72: {  	s28 =	simm.s32 $0x400;
	[sflag:s15] =	ssyncset.done $0x0  }
.LBB2_4:
0x73: {  	p0 =	sne.s32 s28, $0x4800  }
0x74: {  	[sflag:s15] =	ssyncadd.s32 $0xFFFFC000;
	s29 =	smov.u32 s28;
	s28 =	sadd.s32 $0x400, s28  }
0x75: {  	_ = 	snop  }
0x76: {  	_ =	swait.ge [sflag:s20], $0x4000  }
0x77: {  	s29 =	sshra.s32 s29, $0x2;
	[sflag:s20] =	ssyncset.done $0x0  }
0x78: {  	s30 =	sadd.s32 $0x80, s29;
	[sflag:s20] =	ssyncadd.s32 $0xFFFFC000  }
0x79: {  	[tilespmem:s21], [sflag:$0x2] =	stream.indirect.gather [hbm4b:s1+s17], $0x80, s30, s17, $0xb8;
	[tilespmem:$0x1E800] =	vst v63  }
0x7a: {  	s30 =	sadd.s32 $0x1400, s29  }
0x7b: {  	[spmem:s2] =	stream.indirect.scatter.add.f32 [tilespmem:s18], [sflag:$0x4], $0x80, s30, s17, $0xb8;
	[tilespmem:$0x1E800] =	vst v63  }
0x7c: {  	_ =	swait.ge [sflag:s15], $0x4000  }
0x7d: {  	[sflag:s15] =	ssyncset.done $0x0  }
0x7e: {  	[sflag:s15] =	ssyncadd.s32 $0xFFFFC000  }
0x7f: {  	_ =	swait.ge [sflag:s22], $0x4000  }
0x80: {  	[sflag:s22] =	ssyncset.done $0x0  }
0x81: {  	s30 =	sadd.s32 $0x100, s29;
	[sflag:s22] =	ssyncadd.s32 $0xFFFFC000  }
0x82: {  	[tilespmem:s18], [sflag:$0x1] =	stream.indirect.gather [hbm4b:s1+s17], $0x80, s30, s17, $0xb8;
	[tilespmem:$0x1E800] =	vst v63  }
.Ltmp1:
0x83: {  	_ = 	snop;
	(pc) =	sbr.rel @p0 .LBB2_4-.Ltmp1, $4  }
0x84: {  	s29 =	sadd.s32 $0x1480, s29  }
0x85: {  	[spmem:s2] =	stream.indirect.scatter.add.f32 [tilespmem:s21], [sflag:$0x4], $0x80, s29, s17, $0xb8;
	[tilespmem:$0x1E800] =	vst v63  }
0x86: {  	_ =	swait.ge [sflag:s15], $0x4000  }
0x87: {  	[sflag:s15] =	ssyncset.done $0x0  }
0x88: {  	[sflag:s15] =	ssyncadd.s32 $0xFFFFC000  }
0x89: {  	_ =	swait.ge [sflag:s20], $0x4000  }
0x8a: {  	[sflag:s20] =	ssyncset.done $0x0  }
0x8b: {  	[sflag:s20] =	ssyncadd.s32 $0xFFFFC000  }
0x8c: {  	[tilespmem:s21], [sflag:$0x2] =	stream.indirect.gather [hbm4b:s1+s17], $0x80, s23, s17, $0xb8;
	[tilespmem:$0x1E800] =	vst v63  }
0x8d: {  	_ = 	snop  }
0x8e: {  	[spmem:s2] =	stream.indirect.scatter.add.f32 [tilespmem:s18], [sflag:$0x4], $0x80, s24, s17, $0xb8;
	[tilespmem:$0x1E800] =	vst v63  }
0x8f: {  	_ =	swait.ge [sflag:s15], $0x4000  }
0x90: {  	[sflag:s15] =	ssyncset.done $0x0  }
0x91: {  	[sflag:s15] =	ssyncadd.s32 $0xFFFFC000  }
0x92: {  	_ =	swait.ge [sflag:s22], $0x4000  }
0x93: {  	[sflag:s22] =	ssyncset.done $0x0  }
0x94: {  	[sflag:s22] =	ssyncadd.s32 $0xFFFFC000  }
0x95: {  	[spmem:s2] =	stream.indirect.scatter.add.f32 [tilespmem:s21], [sflag:$0x4], $0x80, s25, s17, $0xb8;
	[tilespmem:$0x1E800] =	vst v63  }
0x96: {  	_ =	swait.ge [sflag:s15], $0x4000  }
0x97: {  	s26 =	sadd.s32 $0x1, s26;
	[sflag:s15] =	ssyncset.done $0x0  }
0x98: {  	p0 =	sne.s32 s26, s13;
	[sflag:s15] =	ssyncadd.s32 $0xFFFFC000  }
.Ltmp2:
0x99: {  	s28 =	sor.u32 $0x1C04, s6;
	[bflag:$0x0] =	sbarrier.arrive $0xFFFF;
	(pc) =	sbr.rel @p0 .LBB2_1-.Ltmp2, $4  }
0x9a: {  	[hbm:s12], [sflag:s28] =	dma.local [spmem:s14], $0x2800  }
0x9b: {  	_ =	swait.ge [sflag:s15], $0x2800  }
0x9c: {  	[sflag:s15] =	ssyncset.done $0x0  }
0x9d: {  	[sflag:s15] =	ssyncadd.s32 $0xFFFFD800  }
0x9e: {  	_ =	sfence.sel $0x180000  }
0x9f: {  	[bflag:$0x0] =	sbarrier.arrive $0xFFFF  }
0xa0: {  	p0 =	sne.s32 s3, $0x0;
	_ =	strace $0x9000004A  }
0xa1: {  	s0 =	sadd.s32 @!p0 $0x100000, s0;
	[bflag:$0x2] =	sbarrier.arrive $0xFFFF  }
0xa2: {  	[sflag:s0] =	ssyncadd.tile.s32 @!p0 $0x1;
	_ =	shalt  }
.Lfunc_end2:
_tile_overlayer_lowered:
.L_overlay_start_2:
0xa3: {  	(tag) =	ssettag $0x2  }
0xa4: {  	s0 =	rddreg [dreg:$0x0];
	s2 =	stileid.u32  }
0xa5: {  	s1 =	rddreg [dreg:$0x1];
	p0 =	sne.s32 s2, $0x0  }
0xa6: {  	s3 =	rddreg [dreg:$0x2];
	[bflag:$0x3] =	sbarrier.arrive $0xFFFF;
	s2 =	simm.s32 @!p0 $0x1C04  }
0xa7: {  	[timem:s3], [sflag:s2] =	dma.local @!p0 [hbm:s0], s1  }
0xa8: {  	s0 =	simm.s32 @!p0 $0x4  }
0xa9: {  	_ =	swait.ge @!p0 [sflag:s0], s1  }
0xaa: {  	s1 =	ssub.s32 @!p0 $0x0, s1;
	[sflag:s0] =	ssyncset.done @!p0 $0x0  }
0xab: {  	[sflag:s0] =	ssyncadd.s32 @!p0 s1  }
0xac: {  	[bflag:$0x3] =	sbarrier.arrive $0xFFFF  }
0xad: {  	_ =	shalt  }

// kernel: kernel.14.cloned.1.call-start
scs
__scs_entry_jumppad:
0x0: {  	(pc) =	sbr.rel $0x88, $3  }
0x1: {  	(tag) =	ssettag $0x0;
	lr =	simm.s32 $0x1  }
0x2: {  	[smem:$0x3F9B] =	sst lr;
	_ =	strace $0xD0000000  }
0x3: {  	_ = 	snop  }
0x4: {  	_ = 	snop  }
0x5: {  	_ = 	snop  }
0x6: {  	_ = 	snop  }
0x7: {  	_ = 	snop  }
__scs_overlays_trampoline_lowered:
0x8: {  	[smem:$0x3FAA] =	sst s0  }
0x9: {  	[smem:$0x3FAB] =	sst s1  }
0xa: {  	[smem:$0x3FAC] =	sst s2  }
0xb: {  	[smem:$0x3FAD] =	sst s3  }
0xc: {  	[smem:$0x3FAE] =	sst s4  }
0xd: {  	[smem:$0x3FAF] =	sst s5  }
0xe: {  	[smem:$0x3FB0] =	sst s6  }
0xf: {  	[smem:$0x3FB1] =	sst s7  }
0x10: {  	[smem:$0x3FB2] =	sst s8  }
0x11: {  	[smem:$0x3FB3] =	sst s9;
	s0 =	simm.s32 @!p0 $0x0  }
0x12: {  	s1 =	sld [smem:$0x3F99];
	s0 =	simm.s32 @p0 $0x1  }
0x13: {  	[smem:$0x3FB4] =	sst s0;
	s0 =	simm.s32 @!p1 $0x0  }
0x14: {  	s2 =	sld [smem:$0x3F98];
	s0 =	simm.s32 @p1 $0x1  }
0x15: {  	[smem:$0x3FB5] =	sst s0;
	s0 =	simm.s32 @!p2 $0x0  }
0x16: {  	s3 =	sld [smem:$0x3FDB];
	s0 =	simm.s32 @p2 $0x1  }
0x17: {  	s4 =	simm.s32 $0x1BF5;
	[smem:$0x3FB7] =	sst s0  }
0x18: {  	s0 =	sld [smem:$0x3F9A];
	_ =	swait.ge [sflag:s4], $0x0  }
0x19: {  	s7 =	sld [smem:$0x3F9B]  }
0x1a: {  	s8 =	sadd.s32 $0xFFFFE003, lr  }
0x1b: {  	s9 =	sadd.s32 $0xFFFFFEF7, lr;
	s5 =	simm.s32 $0xFFFFFFFF;
	p2 =	slt.u32 s8, $0xFFFFF086  }
0x1c: {  	p1 =	slt.u32 s9, $0xF7A;
	s5 =	simm.s32 @!p2 $0x0  }
0x1d: {  	s5 =	simm.s32 @p1 $0x1;
	p0 =	seq.s32 s7, s2  }
0x1e: {  	s7 =	smul.u32 @!p0 $0xF7A, s2;
	p2 =	seq.s32 @!p0 s5, $0x0  }
0x1f: {  	s9 =	smul.u32 $0xF7A, s1;
	s8 =	simm.s32 @!p0 $0x1BF5;
	p2 =	por !p2, p0  }
0x20: {  	[sflag:s8] =	ssyncset.s32 @!p0 $0xFFFFF086;
	s6 =	sadd.s32 @!p0 s3, s7;
	s7 =	simm.s32 @!p0 $0x108  }
0x21: {  	s3 =	sadd.s32 s3, s9;
	s6 =	sadd.s32 @!p0 $0x88, s6;
	s7 =	simm.s32 @p2 $0x1082  }
0x22: {  	[simem:s7], [sflag:s8] =	dma.local @!p0 [hbm:s6], $0xF7A  }
0x23: {  	s9 =	sor.u32 $0xD0000000, s2;
	s6 =	simm.s32 $0x108;
	_ =	swait.ge @!p0 [sflag:s8], $0x0  }
0x24: {  	s3 =	sadd.s32 $0x88, s3;
	s6 =	simm.s32 @!p1 $0x1082;
	[sflag:s4] =	ssyncset.s32 $0xFFFFF086  }
0x25: {  	[simem:s6], [sflag:s4] =	dma.local [hbm:s3], $0xF7A  }
0x26: {  	[smem:$0x3F9B] =	sst s1;
	(tag) =	ssettag s2;
	_ =	strace s9  }
0x27: {  	s1 =	sld [smem:$0x3FAB]  }
0x28: {  	s2 =	sld [smem:$0x3FAC]  }
0x29: {  	s4 =	sld [smem:$0x3FAE]  }
0x2a: {  	p0 =	seq.s32 s5, $0x0;
	s5 =	sld [smem:$0x3FAF]  }
0x2b: {  	s6 =	sld [smem:$0x3FB0]  }
0x2c: {  	s7 =	sld [smem:$0x3FB1]  }
0x2d: {  	s3 =	simm.s32 $0x108;
	s8 =	sld [smem:$0x3FB2]  }
0x2e: {  	s3 =	simm.s32 @!p0 $0x1082;
	s9 =	sld [smem:$0x3FB3]  }
0x2f: {  	lr =	sadd.s32 s0, s3;
	s0 =	sld [smem:$0x3FAA]  }
0x30: {  	s3 =	sld [smem:$0x3FAD]  }
0x31: {  	[smem:$0x3FB6] =	sst s10  }
0x32: {  	s10 =	sld [smem:$0x3FB4];
	_ =	sdelay $0x3  }
0x33: {  	p0 =	seq.s32 s10, $0x1;
	s10 =	sld [smem:$0x3FB6];
	_ =	sdelay $0x3  }
0x34: {  	[smem:$0x3FB6] =	sst s10  }
0x35: {  	s10 =	sld [smem:$0x3FB5];
	_ =	sdelay $0x3  }
0x36: {  	p1 =	seq.s32 s10, $0x1;
	s10 =	sld [smem:$0x3FB6];
	_ =	sdelay $0x3  }
0x37: {  	[smem:$0x3FB6] =	sst s10  }
0x38: {  	s10 =	sld [smem:$0x3FB7]  }
0x39: {  	_ = 	snop;
	(pc) =	sbr.ind lr, $3  }
0x3a: {  	_ = 	snop  }
0x3b: {  	_ = 	snop  }
0x3c: {  	p2 =	seq.s32 s10, $0x1;
	s10 =	sld [smem:$0x3FB6]  }
0x3d: {  	_ =	shalt  }
0x3e: {  	_ =	shalt  }
0x3f: {  	_ =	shalt  }
0x40: {  	_ =	shalt  }
0x41: {  	_ =	shalt  }
0x42: {  	_ =	shalt  }
0x43: {  	_ =	shalt  }
0x44: {  	_ =	shalt  }
0x45: {  	_ =	shalt  }
0x46: {  	_ =	shalt  }
0x47: {  	_ =	shalt  }
0x48: {  	_ =	shalt  }
0x49: {  	_ =	shalt  }
0x4a: {  	_ =	shalt  }
0x4b: {  	_ =	shalt  }
0x4c: {  	_ =	shalt  }
0x4d: {  	_ =	shalt  }
0x4e: {  	_ =	shalt  }
0x4f: {  	_ =	shalt  }
0x50: {  	_ =	shalt  }
0x51: {  	_ =	shalt  }
0x52: {  	_ =	shalt  }
0x53: {  	_ =	shalt  }
0x54: {  	_ =	shalt  }
0x55: {  	_ =	shalt  }
0x56: {  	_ =	shalt  }
0x57: {  	_ =	shalt  }
0x58: {  	_ =	shalt  }
0x59: {  	_ =	shalt  }
0x5a: {  	_ =	shalt  }
0x5b: {  	_ =	shalt  }
0x5c: {  	_ =	shalt  }
0x5d: {  	_ =	shalt  }
0x5e: {  	_ =	shalt  }
0x5f: {  	_ =	shalt  }
0x60: {  	_ =	shalt  }
0x61: {  	_ =	shalt  }
0x62: {  	_ =	shalt  }
0x63: {  	_ =	shalt  }
0x64: {  	_ =	shalt  }
0x65: {  	_ =	shalt  }
0x66: {  	_ =	shalt  }
0x67: {  	_ =	shalt  }
0x68: {  	_ =	shalt  }
0x69: {  	_ =	shalt  }
0x6a: {  	_ =	shalt  }
0x6b: {  	_ =	shalt  }
0x6c: {  	_ =	shalt  }
0x6d: {  	_ =	shalt  }
0x6e: {  	_ =	shalt  }
0x6f: {  	_ =	shalt  }
0x70: {  	_ =	shalt  }
0x71: {  	_ =	shalt  }
0x72: {  	_ =	shalt  }
0x73: {  	_ =	shalt  }
0x74: {  	_ =	shalt  }
0x75: {  	_ =	shalt  }
0x76: {  	_ =	shalt  }
0x77: {  	_ =	shalt  }
0x78: {  	_ =	shalt  }
0x79: {  	_ =	shalt  }
0x7a: {  	_ =	shalt  }
0x7b: {  	_ =	shalt  }
0x7c: {  	_ =	shalt  }
0x7d: {  	_ =	shalt  }
0x7e: {  	_ =	shalt  }
0x7f: {  	_ =	shalt  }
0x80: {  	_ =	shalt  }
0x81: {  	_ =	shalt  }
0x82: {  	_ =	shalt  }
0x83: {  	_ =	shalt  }
0x84: {  	_ =	shalt  }
0x85: {  	_ =	shalt  }
0x86: {  	_ =	shalt  }
0x87: {  	_ =	shalt  }
.Lfunc_end0:
.L_simem_size_0:
called_computation.2_lowered:
.L_overlay_start_0:
0x88: {  	s2 =	sld [smem:$0x3FD9]  }
0x89: {  	s3 =	sld [smem:$0x3FFE];
	_ =	sdelay $0x1  }
0x8a: {  	s1 =	srdreg.scid  }
0x8b: {  	s0 =	sand.u32 $0x1, s1  }
0x8c: {  	s17 =	sshll.u32 s0, $0xA;
	s2 =	sadd.s32 s3, s2  }
0x8d: {  	s2 =	sadd.s32 s2, s17  }
0x8e: {  	[smem:$0x3FC2] =	sst s2  }
0x8f: {  	_ = 	snop  }
0x90: {  	s2 =	sld [smem:$0x3FD0];
	(tm) =	ssettm $0x1  }
0x91: {  	s18 =	sld [smem:$0x3FFB];
	_ =	sdelay $0x3  }
0x92: {  	_ =	strace s18  }
0x93: {  	s3 =	sld [smem:$0x3FFC];
	_ =	sdelay $0x3  }
0x94: {  	_ =	strace s3  }
0x95: {  	s3 =	sld [smem:$0x3FFD];
	_ =	sdelay $0x3  }
0x96: {  	_ =	strace s3  }
0x97: {  	_ =	strace $0x8FFFFFFF  }
0x98: {  	s19 =	sld [smem:$0x3FDB];
	_ =	sdelay $0x1  }
0x99: {  	s4 =	simm.s32 $_scs_section_size  }
0x9a: {  	s5 =	simm.s32 $_size__tile_overlayer_lowered;
	s6 =	simm.s32 $_tile_overlayer_lowered  }
0x9b: {  	s22 =	simm.s32 $0x1BFF;
	s21 =	sshll.u32 s6, $0x1;
	s3 =	sadd.s32 s4, s19  }
0x9c: {  	s7 =	simm.s32 $0x0;
	s20 =	sshll.u32 s5, $0x1;
	s5 =	sadd.s32 s21, s3  }
0x9d: {  	[timem:s7], [sflag:s22] =	dma.local [hbm:s5], s20  }
0x9e: {  	_ =	swait.ge [sflag:s22], s20  }
0x9f: {  	s4 =	ssub.s32 $0x0, s20;
	[sflag:s22] =	ssyncset.done $0x0  }
0xa0: {  	[sflag:s22] =	ssyncadd.s32 s4;
	_ =	sdelay $0x1  }
0xa1: {  	s23 =	simm.s32 $0x1B8B  }
0xa2: {  	_ =	swait.ge [sflag:s23], $0x1  }
0xa3: {  	[sflag:s23] =	ssyncset.done $0x0  }
0xa4: {  	s25 =	simm.s32 $0x1B8E;
	s24 =	sld [smem:$0x3FFE];
	[sflag:s23] =	ssyncadd.s32 $0xFFFFFFFF  }
0xa5: {  	s26 =	simm.s32 $execute0_lowered;
	[smem:$0x3FD2] =	sst s25  }
0xa6: {  	s5 =	sshll.u32 s26, $0x1;
	_ =	strace $0x8000004C;
	[dreg:$0x1] =	wrdreg $0xFFFFFFFF  }
0xa7: {  	s28 =	simm.s32 $_size_execute0_lowered;
	s3 =	sadd.s32 s3, s5;
	[dreg:$0x0] =	wrdreg $0x0  }
0xa8: {  	s5 =	sshll.u32 s28, $0x1;
	[dreg:$0x2] =	wrdreg s3  }
0xa9: {  	[dreg:$0x3] =	wrdreg s5  }
0xaa: {  	[dreg:$0x4] =	wrdreg $0xC0  }
0xab: {  	_ =	task [dreg:s7], $0x5FFFF  }
0xac: {  	[dreg:$0x1] =	wrdreg $0xFFFFFFFF  }
0xad: {  	[dreg:$0x0] =	wrdreg $0x60  }
0xae: {  	[dreg:$0x2] =	wrdreg s2  }
0xaf: {  	[dreg:$0x3] =	wrdreg s24  }
0xb0: {  	[dreg:$0x4] =	wrdreg $0xA8000  }
0xb1: {  	[dreg:$0x5] =	wrdreg $0x9  }
0xb2: {  	_ =	task.clear_ibuf [dreg:s7], $0x6FFFF;
	_ =	strace $0x9000004C  }
0xb3: {  	s29 =	simm.s32 $0x9;
	_ =	strace $0x8000004E  }
0xb4: {  	_ =	swait.ge [sflag:s29], $0x1  }
0xb5: {  	[sflag:s29] =	ssyncadd.s32 $0xFFFFFFFF  }
0xb6: {  	_ =	strace $0x9000004E  }
0xb7: {  	_ =	sfence  }
0xb8: {  	s30 =	sld [smem:$0x0];
	_ =	sdelay $0x2  }
0xb9: {  	s31 =	sshll.u32 s1, $0xD;
	s1 =	sshrl.u32 s1, $0x2  }
0xba: {  	s3 =	sand.u32 $0x4000, s31;
	s1 =	sadd.s32 s1, s30  }
0xbb: {  	s0 =	sor.u32 s3, s0;
	s1 =	sshll.u32 s1, $0x11  }
0xbc: {  	s0 =	sor.u32 s1, s0  }
0xbd: {  	s0 =	sadd.s32 $0x8F2B, s0  }
0xbe: {  	[sflag:s0] =	ssyncadd.remote.s32 $0x1  }
0xbf: {  	_ =	sfence.sel $0xFFFF  }
0xc0: {  	[dreg:$0x0] =	wrdreg $0xFFFFFFFF;
	(pc) =	sbr.abs _section_cstart, $3  }
0xc1: {  	[dreg:$0x1] =	wrdreg $0xFFFFFFFF  }
0xc2: {  	_ =	task.clear_ibuf [dreg:s7], $0x2FFFF;
	_ =	strace $0x9FFFFFFF  }
0xc3: {  	(tm) =	ssettm $0x7FFFFFFF  }
tec
execute0_lowered:
.L_overlay_start_1:
0x0: {  	(tag) =	ssettag $0x1  }
0x1: {  	s1 =	rddreg [dreg:$0x0]  }
0x2: {  	s6 =	rddreg [dreg:$0x1]  }
0x3: {  	s2 =	rddreg [dreg:$0x2]  }
0x4: {  	s3 =	srdreg.scid;
	s0 =	rddreg [dreg:$0x3]  }
0x5: {  	s4 =	simm.s32 $0x0;
	s17 =	simm.s32 $0x80;
	s18 =	simm.s32 $0x2800  }
0x6: {  	s19 =	simm.s32 $0x3;
	s20 =	simm.s32 $0x1;
	s5 =	sand.u32 $0x1, s3  }
0x7: {  	s21 =	simm.s32 $0x6800;
	s3 =	stileid.u32;
	s7 =	smul.u32 $0x140000, s5  }
0x8: {  	s22 =	simm.s32 $0x2;
	s23 =	simm.s32 $0x1380;
	s8 =	smul.u32 $0x14000, s3  }
0x9: {  	s24 =	simm.s32 $0x2700;
	[smem:$0x7FF] =	sst s4;
	s9 =	smul.u32 $0x50000, s3  }
0xa: {  	s10 =	sadd.s32 $0xCA00, s6;
	s11 =	sadd.s32 $0x2600, s6;
	s25 =	smul.u32 $0x28000, s5  }
0xb: {  	_ =	strace $0x8000004D;
	s12 =	ssub.s32 $0x2, s5;
	s13 =	smul.u32 $0x2800, s3  }
0xc: {  	s5 =	sadd.s32 $0x16A00, s6;
	s26 =	sshrl.u32 s12, $0x1;
	s7 =	sadd.s32 s8, s7  }
0xd: {  	s15 =	ssub.s32 s12, s26;
	s28 =	sshrl.u32 s9, $0x2;
	s29 =	sadd.s32 s13, s25  }
0xe: {  	s25 =	simm.s32 $0x2780;
	s26 =	simm.s32 $0x0;
	s7 =	sshrl.u32 s7, $0x3  }
0xf: {  	s16 =	sadd.s32 s28, s2;
	s30 =	sshrl.u32 s29, $0x3;
	s13 =	smax.u32 s15, $0x1  }
0x10: {  	s15 =	simm.s32 $0x4;
	s14 =	sadd.s32 s7, s6;
	s6 =	sshll.u32 s3, $0x6  }
0x11: {  	s8 =	sadd.s32 s10, s30;
	s31 =	sadd.s32 $0x280, s30;
	s9 =	sadd.s32 s11, s30  }
0x12: {  	s7 =	sor.u32 $0x1C03, s6;
	s10 =	sadd.s32 s10, s31;
	s11 =	sadd.s32 s11, s31  }
0x13: {  	s12 =	sadd.s32 $0x19200, s14;
	s14 =	sshrl.u32 s16, $0x3;
	s16 =	simm.s32 $0x1400  }
.LBB2_1:
0x14: {  	[spmem:s14], [sflag:s7] =	dma.local [hbm:s5], $0x2800  }
0x15: {  	[tilespmem:s4], [sflag:$0x4] =	stream.linear.gather [hbm4b:s8+s4], $0x1400, $0x38;
	[tilespmem:$0x1E800] =	vst v63  }
0x16: {  	_ =	swait.ge [sflag:s15], $0x1400  }
0x17: {  	[sflag:s15] =	ssyncset.done $0x0  }
0x18: {  	[sflag:s15] =	ssyncadd.s32 $0xFFFFEC00  }
0x19: {  	[tilespmem:s16], [sflag:$0x4] =	stream.linear.gather [hbm4b:s9+s4], $0x1400, $0x38;
	[tilespmem:$0x1E800] =	vst v63  }
0x1a: {  	_ =	swait.ge [sflag:s15], $0x1400  }
0x1b: {  	[sflag:s15] =	ssyncset.done $0x0  }
0x1c: {  	[sflag:s15] =	ssyncadd.s32 $0xFFFFEC00  }
0x1d: {  	[tilespmem:s18], [sflag:$0x1] =	stream.indirect.gather [hbm4b:s1+s17], $0x80, s4, s17, $0xb8;
	[tilespmem:$0x1E800] =	vst v63  }
0x1e: {  	_ =	swait.ge [sflag:s19], $0x2800  }
0x1f: {  	[sflag:s19] =	ssyncset.done $0x0  }
0x20: {  	[sflag:s19] =	ssyncadd.s32 $0xFFFFD800  }
0x21: {  	[bflag:$0x0] =	sbarrier.arrive $0xFFFF  }
0x22: {  	_ =	swait.ge [sflag:s20], $0x4000  }
0x23: {  	[sflag:s20] =	ssyncset.done $0x0  }
0x24: {  	s28 =	simm.s32 $0x80;
	[sflag:s20] =	ssyncadd.s32 $0xFFFFC000  }
0x25: {  	[tilespmem:s21], [sflag:$0x2] =	stream.indirect.gather [hbm4b:s1+s17], $0x80, s28, s17, $0xb8;
	[tilespmem:$0x1E800] =	vst v63  }
0x26: {  	s28 =	simm.s32 $0x1400  }
0x27: {  	[spmem:s2] =	stream.indirect.scatter.add.f32 [tilespmem:s18], [sflag:$0x4], $0x80, s28, s17, $0xb8;
	[tilespmem:$0x1E800] =	vst v63  }
0x28: {  	_ =	swait.ge [sflag:s15], $0x4000  }
0x29: {  	[sflag:s15] =	ssyncset.done $0x0  }
0x2a: {  	[sflag:s15] =	ssyncadd.s32 $0xFFFFC000  }
0x2b: {  	_ =	swait.ge [sflag:s22], $0x4000  }
0x2c: {  	[sflag:s22] =	ssyncset.done $0x0  }
0x2d: {  	s28 =	simm.s32 $0x100;
	[sflag:s22] =	ssyncadd.s32 $0xFFFFC000  }
0x2e: {  	[tilespmem:s18], [sflag:$0x1] =	stream.indirect.gather [hbm4b:s1+s17], $0x80, s28, s17, $0xb8;
	[tilespmem:$0x1E800] =	vst v63  }
0x2f: {  	s28 =	simm.s32 $0x1480  }
0x30: {  	[spmem:s2] =	stream.indirect.scatter.add.f32 [tilespmem:s21], [sflag:$0x4], $0x80, s28, s17, $0xb8;
	[tilespmem:$0x1E800] =	vst v63  }
0x31: {  	_ =	swait.ge [sflag:s15], $0x4000  }
0x32: {  	s28 =	simm.s32 $0x400;
	[sflag:s15] =	ssyncset.done $0x0  }
.LBB2_2:
0x33: {  	p0 =	sne.s32 s28, $0x4800  }
0x34: {  	[sflag:s15] =	ssyncadd.s32 $0xFFFFC000;
	s29 =	smov.u32 s28;
	s28 =	sadd.s32 $0x400, s28  }
0x35: {  	_ = 	snop  }
0x36: {  	_ =	swait.ge [sflag:s20], $0x4000  }
0x37: {  	s29 =	sshra.s32 s29, $0x2;
	[sflag:s20] =	ssyncset.done $0x0  }
0x38: {  	s30 =	sadd.s32 $0x80, s29;
	[sflag:s20] =	ssyncadd.s32 $0xFFFFC000  }
0x39: {  	[tilespmem:s21], [sflag:$0x2] =	stream.indirect.gather [hbm4b:s1+s17], $0x80, s30, s17, $0xb8;
	[tilespmem:$0x1E800] =	vst v63  }
0x3a: {  	s30 =	sadd.s32 $0x1400, s29  }
0x3b: {  	[spmem:s2] =	stream.indirect.scatter.add.f32 [tilespmem:s18], [sflag:$0x4], $0x80, s30, s17, $0xb8;
	[tilespmem:$0x1E800] =	vst v63  }
0x3c: {  	_ =	swait.ge [sflag:s15], $0x4000  }
0x3d: {  	[sflag:s15] =	ssyncset.done $0x0  }
0x3e: {  	[sflag:s15] =	ssyncadd.s32 $0xFFFFC000  }
0x3f: {  	_ =	swait.ge [sflag:s22], $0x4000  }
0x40: {  	[sflag:s22] =	ssyncset.done $0x0  }
0x41: {  	s30 =	sadd.s32 $0x100, s29;
	[sflag:s22] =	ssyncadd.s32 $0xFFFFC000  }
0x42: {  	[tilespmem:s18], [sflag:$0x1] =	stream.indirect.gather [hbm4b:s1+s17], $0x80, s30, s17, $0xb8;
	[tilespmem:$0x1E800] =	vst v63  }
.Ltmp0:
0x43: {  	_ = 	snop;
	(pc) =	sbr.rel @p0 .LBB2_2-.Ltmp0, $4  }
0x44: {  	s29 =	sadd.s32 $0x1480, s29  }
0x45: {  	[spmem:s2] =	stream.indirect.scatter.add.f32 [tilespmem:s21], [sflag:$0x4], $0x80, s29, s17, $0xb8;
	[tilespmem:$0x1E800] =	vst v63  }
0x46: {  	_ =	swait.ge [sflag:s15], $0x4000  }
0x47: {  	[sflag:s15] =	ssyncset.done $0x0  }
0x48: {  	[sflag:s15] =	ssyncadd.s32 $0xFFFFC000  }
0x49: {  	_ =	swait.ge [sflag:s20], $0x4000  }
0x4a: {  	[sflag:s20] =	ssyncset.done $0x0  }
0x4b: {  	[sflag:s20] =	ssyncadd.s32 $0xFFFFC000  }
0x4c: {  	[tilespmem:s21], [sflag:$0x2] =	stream.indirect.gather [hbm4b:s1+s17], $0x80, s23, s17, $0xb8;
	[tilespmem:$0x1E800] =	vst v63  }
0x4d: {  	_ = 	snop  }
0x4e: {  	[spmem:s2] =	stream.indirect.scatter.add.f32 [tilespmem:s18], [sflag:$0x4], $0x80, s24, s17, $0xb8;
	[tilespmem:$0x1E800] =	vst v63  }
0x4f: {  	_ =	swait.ge [sflag:s15], $0x4000  }
0x50: {  	[sflag:s15] =	ssyncset.done $0x0  }
0x51: {  	[sflag:s15] =	ssyncadd.s32 $0xFFFFC000  }
0x52: {  	_ =	swait.ge [sflag:s22], $0x4000  }
0x53: {  	[sflag:s22] =	ssyncset.done $0x0  }
0x54: {  	[sflag:s22] =	ssyncadd.s32 $0xFFFFC000  }
0x55: {  	[spmem:s2] =	stream.indirect.scatter.add.f32 [tilespmem:s21], [sflag:$0x4], $0x80, s25, s17, $0xb8;
	[tilespmem:$0x1E800] =	vst v63  }
0x56: {  	_ =	swait.ge [sflag:s15], $0x4000  }
0x57: {  	[sflag:s15] =	ssyncset.done $0x0  }
0x58: {  	s28 =	simm.s32 $0x0;
	[sflag:s15] =	ssyncadd.s32 $0xFFFFC000  }
0x59: {  	[tilespmem:s28], [sflag:$0x4] =	stream.linear.gather [hbm4b:s10+s28], $0x1400, $0x38;
	[tilespmem:$0x1E800] =	vst v63  }
0x5a: {  	_ =	swait.ge [sflag:s15], $0x1400  }
0x5b: {  	[sflag:s15] =	ssyncset.done $0x0  }
0x5c: {  	[sflag:s15] =	ssyncadd.s32 $0xFFFFEC00  }
0x5d: {  	[tilespmem:s16], [sflag:$0x4] =	stream.linear.gather [hbm4b:s11+s28], $0x1400, $0x38;
	[tilespmem:$0x1E800] =	vst v63  }
0x5e: {  	_ =	swait.ge [sflag:s15], $0x1400  }
0x5f: {  	[sflag:s15] =	ssyncset.done $0x0  }
0x60: {  	[sflag:s15] =	ssyncadd.s32 $0xFFFFEC00  }
0x61: {  	[tilespmem:s18], [sflag:$0x1] =	stream.indirect.gather [hbm4b:s1+s17], $0x80, s28, s17, $0xb8;
	[tilespmem:$0x1E800] =	vst v63  }
0x62: {  	_ =	swait.ge [sflag:s20], $0x4000  }
0x63: {  	[sflag:s20] =	ssyncset.done $0x0  }
0x64: {  	s28 =	simm.s32 $0x80;
	[sflag:s20] =	ssyncadd.s32 $0xFFFFC000  }
0x65: {  	[tilespmem:s21], [sflag:$0x2] =	stream.indirect.gather [hbm4b:s1+s17], $0x80, s28, s17, $0xb8;
	[tilespmem:$0x1E800] =	vst v63  }
0x66: {  	s28 =	simm.s32 $0x1400  }
0x67: {  	[spmem:s2] =	stream.indirect.scatter.add.f32 [tilespmem:s18], [sflag:$0x4], $0x80, s28, s17, $0xb8;
	[tilespmem:$0x1E800] =	vst v63  }
0x68: {  	_ =	swait.ge [sflag:s15], $0x4000  }
0x69: {  	[sflag:s15] =	ssyncset.done $0x0  }
0x6a: {  	[sflag:s15] =	ssyncadd.s32 $0xFFFFC000  }
0x6b: {  	_ =	swait.ge [sflag:s22], $0x4000  }
0x6c: {  	[sflag:s22] =	ssyncset.done $0x0  }
0x6d: {  	s28 =	simm.s32 $0x100;
	[sflag:s22] =	ssyncadd.s32 $0xFFFFC000  }
0x6e: {  	[tilespmem:s18], [sflag:$0x1] =	stream.indirect.gather [hbm4b:s1+s17], $0x80, s28, s17, $0xb8;
	[tilespmem:$0x1E800] =	vst v63  }
0x6f: {  	s28 =	simm.s32 $0x1480  }
0x70: {  	[spmem:s2] =	stream.indirect.scatter.add.f32 [tilespmem:s21], [sflag:$0x4], $0x80, s28, s17, $0xb8;
	[tilespmem:$0x1E800] =	vst v63  }
0x71: {  	_ =	swait.ge [sflag:s15], $0x4000  }
0x72: {  	s28 =	simm.s32 $0x400;
	[sflag:s15] =	ssyncset.done $0x0  }
.LBB2_4:
0x73: {  	p0 =	sne.s32 s28, $0x4800  }
0x74: {  	[sflag:s15] =	ssyncadd.s32 $0xFFFFC000;
	s29 =	smov.u32 s28;
	s28 =	sadd.s32 $0x400, s28  }
0x75: {  	_ = 	snop  }
0x76: {  	_ =	swait.ge [sflag:s20], $0x4000  }
0x77: {  	s29 =	sshra.s32 s29, $0x2;
	[sflag:s20] =	ssyncset.done $0x0  }
0x78: {  	s30 =	sadd.s32 $0x80, s29;
	[sflag:s20] =	ssyncadd.s32 $0xFFFFC000  }
0x79: {  	[tilespmem:s21], [sflag:$0x2] =	stream.indirect.gather [hbm4b:s1+s17], $0x80, s30, s17, $0xb8;
	[tilespmem:$0x1E800] =	vst v63  }
0x7a: {  	s30 =	sadd.s32 $0x1400, s29  }
0x7b: {  	[spmem:s2] =	stream.indirect.scatter.add.f32 [tilespmem:s18], [sflag:$0x4], $0x80, s30, s17, $0xb8;
	[tilespmem:$0x1E800] =	vst v63  }
0x7c: {  	_ =	swait.ge [sflag:s15], $0x4000  }
0x7d: {  	[sflag:s15] =	ssyncset.done $0x0  }
0x7e: {  	[sflag:s15] =	ssyncadd.s32 $0xFFFFC000  }
0x7f: {  	_ =	swait.ge [sflag:s22], $0x4000  }
0x80: {  	[sflag:s22] =	ssyncset.done $0x0  }
0x81: {  	s30 =	sadd.s32 $0x100, s29;
	[sflag:s22] =	ssyncadd.s32 $0xFFFFC000  }
0x82: {  	[tilespmem:s18], [sflag:$0x1] =	stream.indirect.gather [hbm4b:s1+s17], $0x80, s30, s17, $0xb8;
	[tilespmem:$0x1E800] =	vst v63  }
.Ltmp1:
0x83: {  	_ = 	snop;
	(pc) =	sbr.rel @p0 .LBB2_4-.Ltmp1, $4  }
0x84: {  	s29 =	sadd.s32 $0x1480, s29  }
0x85: {  	[spmem:s2] =	stream.indirect.scatter.add.f32 [tilespmem:s21], [sflag:$0x4], $0x80, s29, s17, $0xb8;
	[tilespmem:$0x1E800] =	vst v63  }
0x86: {  	_ =	swait.ge [sflag:s15], $0x4000  }
0x87: {  	[sflag:s15] =	ssyncset.done $0x0  }
0x88: {  	[sflag:s15] =	ssyncadd.s32 $0xFFFFC000  }
0x89: {  	_ =	swait.ge [sflag:s20], $0x4000  }
0x8a: {  	[sflag:s20] =	ssyncset.done $0x0  }
0x8b: {  	[sflag:s20] =	ssyncadd.s32 $0xFFFFC000  }
0x8c: {  	[tilespmem:s21], [sflag:$0x2] =	stream.indirect.gather [hbm4b:s1+s17], $0x80, s23, s17, $0xb8;
	[tilespmem:$0x1E800] =	vst v63  }
0x8d: {  	_ = 	snop  }
0x8e: {  	[spmem:s2] =	stream.indirect.scatter.add.f32 [tilespmem:s18], [sflag:$0x4], $0x80, s24, s17, $0xb8;
	[tilespmem:$0x1E800] =	vst v63  }
0x8f: {  	_ =	swait.ge [sflag:s15], $0x4000  }
0x90: {  	[sflag:s15] =	ssyncset.done $0x0  }
0x91: {  	[sflag:s15] =	ssyncadd.s32 $0xFFFFC000  }
0x92: {  	_ =	swait.ge [sflag:s22], $0x4000  }
0x93: {  	[sflag:s22] =	ssyncset.done $0x0  }
0x94: {  	[sflag:s22] =	ssyncadd.s32 $0xFFFFC000  }
0x95: {  	[spmem:s2] =	stream.indirect.scatter.add.f32 [tilespmem:s21], [sflag:$0x4], $0x80, s25, s17, $0xb8;
	[tilespmem:$0x1E800] =	vst v63  }
0x96: {  	_ =	swait.ge [sflag:s15], $0x4000  }
0x97: {  	s26 =	sadd.s32 $0x1, s26;
	[sflag:s15] =	ssyncset.done $0x0  }
0x98: {  	p0 =	sne.s32 s26, s13;
	[sflag:s15] =	ssyncadd.s32 $0xFFFFC000  }
.Ltmp2:
0x99: {  	s28 =	sor.u32 $0x1C04, s6;
	[bflag:$0x0] =	sbarrier.arrive $0xFFFF;
	(pc) =	sbr.rel @p0 .LBB2_1-.Ltmp2, $4  }
0x9a: {  	[hbm:s12], [sflag:s28] =	dma.local [spmem:s14], $0x2800  }
0x9b: {  	_ =	swait.ge [sflag:s15], $0x2800  }
0x9c: {  	[sflag:s15] =	ssyncset.done $0x0  }
0x9d: {  	[sflag:s15] =	ssyncadd.s32 $0xFFFFD800  }
0x9e: {  	_ =	sfence.sel $0x180000  }
0x9f: {  	[bflag:$0x0] =	sbarrier.arrive $0xFFFF  }
0xa0: {  	p0 =	sne.s32 s3, $0x0;
	_ =	strace $0x9000004D  }
0xa1: {  	s0 =	sadd.s32 @!p0 $0x100000, s0;
	[bflag:$0x2] =	sbarrier.arrive $0xFFFF  }
0xa2: {  	[sflag:s0] =	ssyncadd.tile.s32 @!p0 $0x1;
	_ =	shalt  }
.Lfunc_end2:
_tile_overlayer_lowered:
.L_overlay_start_2:
0xa3: {  	(tag) =	ssettag $0x2  }
0xa4: {  	s0 =	rddreg [dreg:$0x0];
	s2 =	stileid.u32  }
0xa5: {  	s1 =	rddreg [dreg:$0x1];
	p0 =	sne.s32 s2, $0x0  }
0xa6: {  	s3 =	rddreg [dreg:$0x2];
	[bflag:$0x3] =	sbarrier.arrive $0xFFFF;
	s2 =	simm.s32 @!p0 $0x1C04  }
0xa7: {  	[timem:s3], [sflag:s2] =	dma.local @!p0 [hbm:s0], s1  }
0xa8: {  	s0 =	simm.s32 @!p0 $0x4  }
0xa9: {  	_ =	swait.ge @!p0 [sflag:s0], s1  }
0xaa: {  	s1 =	ssub.s32 @!p0 $0x0, s1;
	[sflag:s0] =	ssyncset.done @!p0 $0x0  }
0xab: {  	[sflag:s0] =	ssyncadd.s32 @!p0 s1  }
0xac: {  	[bflag:$0x3] =	sbarrier.arrive $0xFFFF  }
0xad: {  	_ =	shalt  }

// kernel: kernel.8.cloned.1.call-start
scs
__scs_entry_jumppad:
0x0: {  	(pc) =	sbr.rel $0x88, $3  }
0x1: {  	(tag) =	ssettag $0x0;
	lr =	simm.s32 $0x1  }
0x2: {  	[smem:$0x3F9B] =	sst lr;
	_ =	strace $0xD0000000  }
0x3: {  	_ = 	snop  }
0x4: {  	_ = 	snop  }
0x5: {  	_ = 	snop  }
0x6: {  	_ = 	snop  }
0x7: {  	_ = 	snop  }
__scs_overlays_trampoline_lowered:
0x8: {  	[smem:$0x3FAA] =	sst s0  }
0x9: {  	[smem:$0x3FAB] =	sst s1  }
0xa: {  	[smem:$0x3FAC] =	sst s2  }
0xb: {  	[smem:$0x3FAD] =	sst s3  }
0xc: {  	[smem:$0x3FAE] =	sst s4  }
0xd: {  	[smem:$0x3FAF] =	sst s5  }
0xe: {  	[smem:$0x3FB0] =	sst s6  }
0xf: {  	[smem:$0x3FB1] =	sst s7  }
0x10: {  	[smem:$0x3FB2] =	sst s8  }
0x11: {  	[smem:$0x3FB3] =	sst s9;
	s0 =	simm.s32 @!p0 $0x0  }
0x12: {  	s1 =	sld [smem:$0x3F99];
	s0 =	simm.s32 @p0 $0x1  }
0x13: {  	[smem:$0x3FB4] =	sst s0;
	s0 =	simm.s32 @!p1 $0x0  }
0x14: {  	s2 =	sld [smem:$0x3F98];
	s0 =	simm.s32 @p1 $0x1  }
0x15: {  	[smem:$0x3FB5] =	sst s0;
	s0 =	simm.s32 @!p2 $0x0  }
0x16: {  	s3 =	sld [smem:$0x3FDB];
	s0 =	simm.s32 @p2 $0x1  }
0x17: {  	s4 =	simm.s32 $0x1BF5;
	[smem:$0x3FB7] =	sst s0  }
0x18: {  	s0 =	sld [smem:$0x3F9A];
	_ =	swait.ge [sflag:s4], $0x0  }
0x19: {  	s7 =	sld [smem:$0x3F9B]  }
0x1a: {  	s8 =	sadd.s32 $0xFFFFE003, lr  }
0x1b: {  	s9 =	sadd.s32 $0xFFFFFEF7, lr;
	s5 =	simm.s32 $0xFFFFFFFF;
	p2 =	slt.u32 s8, $0xFFFFF086  }
0x1c: {  	p1 =	slt.u32 s9, $0xF7A;
	s5 =	simm.s32 @!p2 $0x0  }
0x1d: {  	s5 =	simm.s32 @p1 $0x1;
	p0 =	seq.s32 s7, s2  }
0x1e: {  	s7 =	smul.u32 @!p0 $0xF7A, s2;
	p2 =	seq.s32 @!p0 s5, $0x0  }
0x1f: {  	s9 =	smul.u32 $0xF7A, s1;
	s8 =	simm.s32 @!p0 $0x1BF5;
	p2 =	por !p2, p0  }
0x20: {  	[sflag:s8] =	ssyncset.s32 @!p0 $0xFFFFF086;
	s6 =	sadd.s32 @!p0 s3, s7;
	s7 =	simm.s32 @!p0 $0x108  }
0x21: {  	s3 =	sadd.s32 s3, s9;
	s6 =	sadd.s32 @!p0 $0x88, s6;
	s7 =	simm.s32 @p2 $0x1082  }
0x22: {  	[simem:s7], [sflag:s8] =	dma.local @!p0 [hbm:s6], $0xF7A  }
0x23: {  	s9 =	sor.u32 $0xD0000000, s2;
	s6 =	simm.s32 $0x108;
	_ =	swait.ge @!p0 [sflag:s8], $0x0  }
0x24: {  	s3 =	sadd.s32 $0x88, s3;
	s6 =	simm.s32 @!p1 $0x1082;
	[sflag:s4] =	ssyncset.s32 $0xFFFFF086  }
0x25: {  	[simem:s6], [sflag:s4] =	dma.local [hbm:s3], $0xF7A  }
0x26: {  	[smem:$0x3F9B] =	sst s1;
	(tag) =	ssettag s2;
	_ =	strace s9  }
0x27: {  	s1 =	sld [smem:$0x3FAB]  }
0x28: {  	s2 =	sld [smem:$0x3FAC]  }
0x29: {  	s4 =	sld [smem:$0x3FAE]  }
0x2a: {  	p0 =	seq.s32 s5, $0x0;
	s5 =	sld [smem:$0x3FAF]  }
0x2b: {  	s6 =	sld [smem:$0x3FB0]  }
0x2c: {  	s7 =	sld [smem:$0x3FB1]  }
0x2d: {  	s3 =	simm.s32 $0x108;
	s8 =	sld [smem:$0x3FB2]  }
0x2e: {  	s3 =	simm.s32 @!p0 $0x1082;
	s9 =	sld [smem:$0x3FB3]  }
0x2f: {  	lr =	sadd.s32 s0, s3;
	s0 =	sld [smem:$0x3FAA]  }
0x30: {  	s3 =	sld [smem:$0x3FAD]  }
0x31: {  	[smem:$0x3FB6] =	sst s10  }
0x32: {  	s10 =	sld [smem:$0x3FB4];
	_ =	sdelay $0x3  }
0x33: {  	p0 =	seq.s32 s10, $0x1;
	s10 =	sld [smem:$0x3FB6];
	_ =	sdelay $0x3  }
0x34: {  	[smem:$0x3FB6] =	sst s10  }
0x35: {  	s10 =	sld [smem:$0x3FB5];
	_ =	sdelay $0x3  }
0x36: {  	p1 =	seq.s32 s10, $0x1;
	s10 =	sld [smem:$0x3FB6];
	_ =	sdelay $0x3  }
0x37: {  	[smem:$0x3FB6] =	sst s10  }
0x38: {  	s10 =	sld [smem:$0x3FB7]  }
0x39: {  	_ = 	snop;
	(pc) =	sbr.ind lr, $3  }
0x3a: {  	_ = 	snop  }
0x3b: {  	_ = 	snop  }
0x3c: {  	p2 =	seq.s32 s10, $0x1;
	s10 =	sld [smem:$0x3FB6]  }
0x3d: {  	_ =	shalt  }
0x3e: {  	_ =	shalt  }
0x3f: {  	_ =	shalt  }
0x40: {  	_ =	shalt  }
0x41: {  	_ =	shalt  }
0x42: {  	_ =	shalt  }
0x43: {  	_ =	shalt  }
0x44: {  	_ =	shalt  }
0x45: {  	_ =	shalt  }
0x46: {  	_ =	shalt  }
0x47: {  	_ =	shalt  }
0x48: {  	_ =	shalt  }
0x49: {  	_ =	shalt  }
0x4a: {  	_ =	shalt  }
0x4b: {  	_ =	shalt  }
0x4c: {  	_ =	shalt  }
0x4d: {  	_ =	shalt  }
0x4e: {  	_ =	shalt  }
0x4f: {  	_ =	shalt  }
0x50: {  	_ =	shalt  }
0x51: {  	_ =	shalt  }
0x52: {  	_ =	shalt  }
0x53: {  	_ =	shalt  }
0x54: {  	_ =	shalt  }
0x55: {  	_ =	shalt  }
0x56: {  	_ =	shalt  }
0x57: {  	_ =	shalt  }
0x58: {  	_ =	shalt  }
0x59: {  	_ =	shalt  }
0x5a: {  	_ =	shalt  }
0x5b: {  	_ =	shalt  }
0x5c: {  	_ =	shalt  }
0x5d: {  	_ =	shalt  }
0x5e: {  	_ =	shalt  }
0x5f: {  	_ =	shalt  }
0x60: {  	_ =	shalt  }
0x61: {  	_ =	shalt  }
0x62: {  	_ =	shalt  }
0x63: {  	_ =	shalt  }
0x64: {  	_ =	shalt  }
0x65: {  	_ =	shalt  }
0x66: {  	_ =	shalt  }
0x67: {  	_ =	shalt  }
0x68: {  	_ =	shalt  }
0x69: {  	_ =	shalt  }
0x6a: {  	_ =	shalt  }
0x6b: {  	_ =	shalt  }
0x6c: {  	_ =	shalt  }
0x6d: {  	_ =	shalt  }
0x6e: {  	_ =	shalt  }
0x6f: {  	_ =	shalt  }
0x70: {  	_ =	shalt  }
0x71: {  	_ =	shalt  }
0x72: {  	_ =	shalt  }
0x73: {  	_ =	shalt  }
0x74: {  	_ =	shalt  }
0x75: {  	_ =	shalt  }
0x76: {  	_ =	shalt  }
0x77: {  	_ =	shalt  }
0x78: {  	_ =	shalt  }
0x79: {  	_ =	shalt  }
0x7a: {  	_ =	shalt  }
0x7b: {  	_ =	shalt  }
0x7c: {  	_ =	shalt  }
0x7d: {  	_ =	shalt  }
0x7e: {  	_ =	shalt  }
0x7f: {  	_ =	shalt  }
0x80: {  	_ =	shalt  }
0x81: {  	_ =	shalt  }
0x82: {  	_ =	shalt  }
0x83: {  	_ =	shalt  }
0x84: {  	_ =	shalt  }
0x85: {  	_ =	shalt  }
0x86: {  	_ =	shalt  }
0x87: {  	_ =	shalt  }
.Lfunc_end0:
.L_simem_size_0:
called_computation_lowered:
.L_overlay_start_0:
0x88: {  	s2 =	sld [smem:$0x3FD9]  }
0x89: {  	s3 =	sld [smem:$0x3FFE];
	_ =	sdelay $0x1  }
0x8a: {  	s1 =	srdreg.scid  }
0x8b: {  	s0 =	sand.u32 $0x1, s1  }
0x8c: {  	s17 =	sshll.u32 s0, $0xA;
	s2 =	sadd.s32 s3, s2  }
0x8d: {  	s2 =	sadd.s32 s2, s17  }
0x8e: {  	[smem:$0x3FC2] =	sst s2  }
0x8f: {  	_ = 	snop  }
0x90: {  	s2 =	sld [smem:$0x3FD0];
	(tm) =	ssettm $0x1  }
0x91: {  	s18 =	sld [smem:$0x3FFB];
	_ =	sdelay $0x3  }
0x92: {  	_ =	strace s18  }
0x93: {  	s3 =	sld [smem:$0x3FFC];
	_ =	sdelay $0x3  }
0x94: {  	_ =	strace s3  }
0x95: {  	s3 =	sld [smem:$0x3FFD];
	_ =	sdelay $0x3  }
0x96: {  	_ =	strace s3  }
0x97: {  	_ =	strace $0x8FFFFFFF  }
0x98: {  	s19 =	sld [smem:$0x3FDB];
	_ =	sdelay $0x1  }
0x99: {  	s4 =	simm.s32 $_scs_section_size  }
0x9a: {  	s5 =	simm.s32 $_size__tile_overlayer_lowered;
	s6 =	simm.s32 $_tile_overlayer_lowered  }
0x9b: {  	s22 =	simm.s32 $0x1BFF;
	s21 =	sshll.u32 s6, $0x1;
	s3 =	sadd.s32 s4, s19  }
0x9c: {  	s7 =	simm.s32 $0x0;
	s20 =	sshll.u32 s5, $0x1;
	s5 =	sadd.s32 s21, s3  }
0x9d: {  	[timem:s7], [sflag:s22] =	dma.local [hbm:s5], s20  }
0x9e: {  	_ =	swait.ge [sflag:s22], s20  }
0x9f: {  	s4 =	ssub.s32 $0x0, s20;
	[sflag:s22] =	ssyncset.done $0x0  }
0xa0: {  	[sflag:s22] =	ssyncadd.s32 s4;
	_ =	sdelay $0x1  }
0xa1: {  	s23 =	simm.s32 $0x1B8B  }
0xa2: {  	_ =	swait.ge [sflag:s23], $0x1  }
0xa3: {  	[sflag:s23] =	ssyncset.done $0x0  }
0xa4: {  	s25 =	simm.s32 $0x1B8E;
	s24 =	sld [smem:$0x3FFE];
	[sflag:s23] =	ssyncadd.s32 $0xFFFFFFFF  }
0xa5: {  	s26 =	simm.s32 $execute0_lowered;
	[smem:$0x3FD2] =	sst s25  }
0xa6: {  	s5 =	sshll.u32 s26, $0x1;
	_ =	strace $0x80000046;
	[dreg:$0x1] =	wrdreg $0xFFFFFFFF  }
0xa7: {  	s28 =	simm.s32 $_size_execute0_lowered;
	s3 =	sadd.s32 s3, s5;
	[dreg:$0x0] =	wrdreg $0x0  }
0xa8: {  	s5 =	sshll.u32 s28, $0x1;
	[dreg:$0x2] =	wrdreg s3  }
0xa9: {  	[dreg:$0x3] =	wrdreg s5  }
0xaa: {  	[dreg:$0x4] =	wrdreg $0xC0  }
0xab: {  	_ =	task [dreg:s7], $0x5FFFF  }
0xac: {  	[dreg:$0x1] =	wrdreg $0xFFFFFFFF  }
0xad: {  	[dreg:$0x0] =	wrdreg $0x60  }
0xae: {  	[dreg:$0x2] =	wrdreg s24  }
0xaf: {  	[dreg:$0x3] =	wrdreg s2  }
0xb0: {  	[dreg:$0x4] =	wrdreg $0x28800  }
0xb1: {  	[dreg:$0x5] =	wrdreg $0x9  }
0xb2: {  	_ =	task.clear_ibuf [dreg:s7], $0x6FFFF;
	_ =	strace $0x90000046  }
0xb3: {  	s29 =	simm.s32 $0x9;
	_ =	strace $0x80000048  }
0xb4: {  	_ =	swait.ge [sflag:s29], $0x1  }
0xb5: {  	[sflag:s29] =	ssyncadd.s32 $0xFFFFFFFF  }
0xb6: {  	_ =	strace $0x90000048  }
0xb7: {  	_ =	sfence  }
0xb8: {  	s30 =	sld [smem:$0x0];
	_ =	sdelay $0x2  }
0xb9: {  	s31 =	sshll.u32 s1, $0xD;
	s1 =	sshrl.u32 s1, $0x2  }
0xba: {  	s3 =	sand.u32 $0x4000, s31;
	s1 =	sadd.s32 s1, s30  }
0xbb: {  	s0 =	sor.u32 s3, s0;
	s1 =	sshll.u32 s1, $0x11  }
0xbc: {  	s0 =	sor.u32 s1, s0  }
0xbd: {  	s0 =	sadd.s32 $0x8F2B, s0  }
0xbe: {  	[sflag:s0] =	ssyncadd.remote.s32 $0x1  }
0xbf: {  	_ =	sfence.sel $0xFFFF  }
0xc0: {  	[dreg:$0x0] =	wrdreg $0xFFFFFFFF;
	(pc) =	sbr.abs _section_cstart, $3  }
0xc1: {  	[dreg:$0x1] =	wrdreg $0xFFFFFFFF  }
0xc2: {  	_ =	task.clear_ibuf [dreg:s7], $0x2FFFF;
	_ =	strace $0x9FFFFFFF  }
0xc3: {  	(tm) =	ssettm $0x7FFFFFFF  }
tec
execute0_lowered:
.L_overlay_start_1:
0x0: {  	(tag) =	ssettag $0x1  }
0x1: {  	s5 =	rddreg [dreg:$0x0]  }
0x2: {  	s8 =	rddreg [dreg:$0x1]  }
0x3: {  	s2 =	rddreg [dreg:$0x2]  }
0x4: {  	s0 =	srdreg.scid;
	s1 =	rddreg [dreg:$0x3];
	s3 =	simm.s32 $0x0  }
0x5: {  	s13 =	simm.s32 $0x80;
	s14 =	simm.s32 $0x20;
	s6 =	sand.u32 $0x1, s0  }
0x6: {  	s15 =	simm.s32 $0x10;
	s0 =	stileid.u32;
	s4 =	smul.u32 $0x28000, s6  }
0x7: {  	s16 =	simm.s32 $0x0;
	[smem:$0x7FF] =	sst s3;
	s7 =	smul.u32 $0x2800, s0  }
0x8: {  	_ =	strace $0x80000047;
	s9 =	ssub.s32 $0x2, s6;
	s10 =	smul.u32 $0xA00, s0  }
0x9: {  	s12 =	smul.u32 $0x500, s0;
	s6 =	sshll.u32 s6, $0x7;
	s11 =	sshrl.u32 s9, $0x1  }
0xa: {  	s30 =	sshll.u32 s0, $0x6;
	s4 =	sadd.s32 s7, s4;
	s9 =	ssub.s32 s9, s11  }
0xb: {  	s10 =	sshrl.u32 s10, $0x2;
	s12 =	sor.u32 s6, s12;
	s6 =	sor.u32 $0x1C01, s30  }
0xc: {  	s11 =	simm.s32 $0x1;
	s4 =	sshrl.u32 s4, $0x3;
	s10 =	sadd.s32 s10, s2  }
0xd: {  	s31 =	sshrl.u32 s12, $0x3;
	s9 =	smax.u32 s9, $0x1;
	s12 =	simm.s32 $0x2800  }
0xe: {  	s29 =	sadd.s32 s4, s5;
	s4 =	sadd.s32 $0xC800, s5;
	s5 =	sadd.s32 $0xC600, s5  }
0xf: {  	s8 =	sadd.s32 s8, s31;
	s10 =	sshrl.u32 s10, $0x3;
	s7 =	sadd.s32 $0x2600, s29  }
.LBB2_1:
0x10: {  	[spmem:s10], [sflag:s6] =	dma.local [hbm:s4], $0x50  }
0x11: {  	_ =	swait.ge [sflag:s11], $0x50  }
0x12: {  	[sflag:s11] =	ssyncset.done $0x0  }
0x13: {  	[sflag:s11] =	ssyncadd.s32 $0xFFFFFFB0  }
0x14: {  	[tilespmem:s3], [sflag:$0x1] =	stream.linear.gather [hbm4b:s7+s3], $0x2800, $0x38;
	[tilespmem:$0x2B00] =	vst v63  }
0x15: {  	_ =	swait.ge [sflag:s11], $0x2800  }
0x16: {  	[sflag:s11] =	ssyncset.done $0x0  }
0x17: {  	[sflag:s11] =	ssyncadd.s32 $0xFFFFD800  }
0x18: {  	[tilespmem:s12], [sflag:$0x1] =	stream.linear.gather [hbm4b:s5+s3], $0x80, $0x38;
	[tilespmem:$0x2B00] =	vst v63  }
0x19: {  	_ =	swait.ge [sflag:s11], $0x80  }
0x1a: {  	[sflag:s11] =	ssyncset.done $0x0  }
0x1b: {  	[sflag:s11] =	ssyncadd.s32 $0xFFFFFF80  }
0x1c: {  	s17 =	simm.s32 $0x0;
	[bflag:$0x0] =	sbarrier.arrive $0xFFFF  }
0x1d: {  	[spmem:s2] =	stream.indirect.scatter.add.f32 [tilespmem:s12], [sflag:$0x1], $0x1, s17, s13, $0xb8;
	[tilespmem:$0x2B00] =	vst v63  }
0x1e: {  	_ =	swait.ge [sflag:s11], $0x80  }
0x1f: {  	s17 =	simm.s32 $0x200;
	[sflag:s11] =	ssyncset.done $0x0  }
.LBB2_2:
0x20: {  	s18 =	sshra.s32 s17, $0x2;
	[sflag:s11] =	ssyncadd.s32 $0xFFFFFF80;
	p0 =	sne.s32 s17, $0x9E00  }
0x21: {  	[spmem:s2] =	stream.indirect.scatter.add.f32 [tilespmem:s12], [sflag:$0x1], $0x1, s18, s13, $0xb8;
	[tilespmem:$0x2B00] =	vst v63  }
.Ltmp0:
0x22: {  	_ = 	snop;
	(pc) =	sbr.rel @p0 .LBB2_2-.Ltmp0, $4  }
0x23: {  	_ = 	snop  }
0x24: {  	s17 =	sadd.s32 $0x200, s17  }
0x25: {  	_ =	swait.ge [sflag:s11], $0x80  }
0x26: {  	[sflag:s11] =	ssyncset.done $0x0  }
0x27: {  	s16 =	sadd.s32 $0x1, s16  }
0x28: {  	[sflag:s11] =	ssyncadd.s32 $0xFFFFFF80;
	p0 =	sne.s32 s16, s9  }
.Ltmp1:
0x29: {  	[bflag:$0x0] =	sbarrier.arrive $0xFFFF;
	(pc) =	sbr.rel @p0 .LBB2_1-.Ltmp1, $4  }
0x2a: {  	[hbm:s8@s14], [sflag:s6] =	dma.strided [spmem:s10@s15], $0x50, s11, $0x10   }
0x2b: {  	_ =	swait.ge [sflag:s11], $0x50  }
0x2c: {  	[sflag:s11] =	ssyncset.done $0x0  }
0x2d: {  	[sflag:s11] =	ssyncadd.s32 $0xFFFFFFB0  }
0x2e: {  	_ =	sfence.sel $0x180000  }
0x2f: {  	[bflag:$0x0] =	sbarrier.arrive $0xFFFF  }
0x30: {  	p0 =	sne.s32 s0, $0x0;
	_ =	strace $0x90000047  }
0x31: {  	s0 =	sadd.s32 @!p0 $0x100000, s1;
	[bflag:$0x2] =	sbarrier.arrive $0xFFFF  }
0x32: {  	[sflag:s0] =	ssyncadd.tile.s32 @!p0 $0x1;
	_ =	shalt  }
.Lfunc_end2:
_tile_overlayer_lowered:
.L_overlay_start_2:
0x33: {  	(tag) =	ssettag $0x2  }
0x34: {  	s0 =	rddreg [dreg:$0x0];
	s2 =	stileid.u32  }
0x35: {  	s1 =	rddreg [dreg:$0x1];
	p0 =	sne.s32 s2, $0x0  }
0x36: {  	s3 =	rddreg [dreg:$0x2];
	[bflag:$0x3] =	sbarrier.arrive $0xFFFF;
	s2 =	simm.s32 @!p0 $0x1C01  }
0x37: {  	[timem:s3], [sflag:s2] =	dma.local @!p0 [hbm:s0], s1  }
0x38: {  	s0 =	simm.s32 @!p0 $0x1  }
0x39: {  	_ =	swait.ge @!p0 [sflag:s0], s1  }
0x3a: {  	s1 =	ssub.s32 @!p0 $0x0, s1;
	[sflag:s0] =	ssyncset.done @!p0 $0x0  }
0x3b: {  	[sflag:s0] =	ssyncadd.s32 @!p0 s1  }
0x3c: {  	[bflag:$0x3] =	sbarrier.arrive $0xFFFF  }
0x3d: {  	_ =	shalt  }

</sc_bundles>
